<compile_context>
chip_gen: v7x
topology: tpu7x:2x2x1
jax: 0.10.2.dev20260603
libtpu: 0.0.44.dev20260713+nightly
codegen_flags: <defaults>
</compile_context>

<pallas_src>
import jax
import jax.numpy as jnp
from jax import lax
from jax.experimental import pallas as pl
from jax.experimental.pallas import tpu as pltpu
from jax.experimental.pallas import tpu_sc as plsc

BATCH = 16384
HIDDEN = 32
NUM_ROWS = 1000000
NC, NS, L = 2, 16, 16
NW = NC * NS
BPW = BATCH // NW
SUBL = 8
HT = HIDDEN // SUBL
CH = 4
NCHUNK = BPW // CH
IDPAD = BPW + L
TW = 128


def _pmf_body(user_ids, item_ids, u_t3, v_t3, out,
              uid_v, iid_v, u_win, v_win, out_v,
              sem_u0, sem_v0, sem_u1, sem_v1):
    wid = lax.axis_index("s") * NC + lax.axis_index("c")
    base = wid * BPW
    sem_u = [sem_u0, sem_u1]
    sem_v = [sem_v0, sem_v1]

    pltpu.sync_copy(user_ids.at[pl.ds(base, BPW)], uid_v.at[pl.ds(0, BPW)])
    pltpu.sync_copy(item_ids.at[pl.ds(base, BPW)], iid_v.at[pl.ds(0, BPW)])

    lane0 = lax.iota(jnp.int32, L) == 0
    i16 = lax.iota(jnp.int32, L)
    tr_lo = i16 // SUBL
    s_all = i16 % SUBL
    zeros = jnp.zeros((L,), jnp.float32)

    def issue(c, buf):
        for j in range(CH):
            i = c * CH + j
            ru = lax.reduce_sum_p.bind(
                jnp.where(lane0, uid_v[pl.ds(i, L)], 0), axes=(0,))
            rv = lax.reduce_sum_p.bind(
                jnp.where(lane0, iid_v[pl.ds(i, L)], 0), axes=(0,))
            tu = pl.multiple_of(
                lax.shift_left(lax.shift_right_logical(ru, 7), 7), TW)
            tv = pl.multiple_of(
                lax.shift_left(lax.shift_right_logical(rv, 7), 7), TW)
            s = buf * (CH * TW)
            pltpu.async_copy(u_t3.at[:, :, pl.ds(tu, TW)],
                             u_win.at[:, :, pl.ds(s + j * TW, TW)],
                             sem_u[buf])
            pltpu.async_copy(v_t3.at[:, :, pl.ds(tv, TW)],
                             v_win.at[:, :, pl.ds(s + j * TW, TW)],
                             sem_v[buf])

    def drain(buf):
        s = buf * (CH * TW)
        pltpu.make_async_copy(
            u_t3.at[:, :, pl.ds(0, CH * TW)],
            u_win.at[:, :, pl.ds(s, CH * TW)], sem_u[buf]).wait()
        pltpu.make_async_copy(
            v_t3.at[:, :, pl.ds(0, CH * TW)],
            v_win.at[:, :, pl.ds(s, CH * TW)], sem_v[buf]).wait()

    def compute(c, buf, res):
        for j in range(CH):
            i = c * CH + j
            ru16 = jnp.where(lane0, uid_v[pl.ds(i, L)], 0)
            rv16 = jnp.where(lane0, iid_v[pl.ds(i, L)], 0)
            lu = lax.reduce_sum_p.bind(ru16 & 127, axes=(0,))
            lv = lax.reduce_sum_p.bind(rv16 & 127, axes=(0,))
            off = buf * (CH * TW) + j * TW
            dot = zeros
            for half in range(2):
                tr_h = tr_lo + 2 * half
                iu = jnp.full((L,), off, jnp.int32) + lu
                iv = jnp.full((L,), off, jnp.int32) + lv
                gu = plsc.load_gather(u_win, [tr_h, s_all, iu])
                gv = plsc.load_gather(v_win, [tr_h, s_all, iv])
                dot = dot + gu * gv
            d = lax.reduce_sum_p.bind(dot, axes=(0,))
            res = jnp.where(i16 == (c % 4) * CH + j, d, res)
        return res

    issue(0, 0)

    def pipe(k, res):
        c0 = 2 * k
        issue(c0 + 1, 1)
        drain(0)
        res = compute(c0, 0, res)

        @pl.when(c0 + 2 < NCHUNK)
        def _():
            issue(c0 + 2, 0)

        drain(1)
        res = compute(c0 + 1, 1, res)

        @pl.when(k % 2 == 1)
        def _():
            out_v[pl.ds(((c0 + 1) // 4) * L, L)] = jnp.maximum(res, 0.0)

        return res

    lax.fori_loop(0, NCHUNK // 2, pipe, zeros)
    pltpu.sync_copy(out_v, out.at[pl.ds(base, BPW)])


@jax.jit
def kernel(user_ids, item_ids, emb_user, emb_item):
    mesh = plsc.VectorSubcoreMesh(core_axis_name="c", subcore_axis_name="s",
                                  num_cores=NC, num_subcores=NS)
    k = pl.kernel(
        _pmf_body,
        out_type=jax.ShapeDtypeStruct((BATCH,), jnp.float32),
        mesh=mesh,
        scratch_types=[
            pltpu.VMEM((IDPAD,), jnp.int32),
            pltpu.VMEM((IDPAD,), jnp.int32),
            pltpu.VMEM((HT, SUBL, 2 * CH * TW), jnp.float32),
            pltpu.VMEM((HT, SUBL, 2 * CH * TW), jnp.float32),
            pltpu.VMEM((BPW,), jnp.float32),
            pltpu.SemaphoreType.DMA,
            pltpu.SemaphoreType.DMA,
            pltpu.SemaphoreType.DMA,
            pltpu.SemaphoreType.DMA,
        ],
        compiler_params=pltpu.CompilerParams(use_tc_tiling_on_sc=True,
                                             needs_layout_passes=False),
    )
    u_t3 = emb_user.T.reshape(HT, SUBL, NUM_ROWS)
    v_t3 = emb_item.T.reshape(HT, SUBL, NUM_ROWS)
    return k(user_ids.astype(jnp.int32), item_ids.astype(jnp.int32),
             u_t3, v_t3)

# --- scband reference (transcript-rebuilt; emitter-appended) ---
"""Pipeline reference for scband-pmf-47553877902009 (READ-ONLY COPY).

The authoritative reference and input builder live on the scoring server;
editing this copy changes nothing except your own understanding.
"""

import jax, jax.numpy as jnp
import numpy as np

NUM_USER = 1000000
NUM_ITEM = 1000000
HIDDEN = 32
BATCH = 16384


def setup_inputs(seed: int = 0) -> dict:
    key = jax.random.key(seed)
    k1, k2, k3, k4 = jax.random.split(key, 4)
    user_ids = jax.random.randint(k1, (BATCH,), 0, NUM_USER, dtype=jnp.int64 if jax.config.jax_enable_x64 else jnp.int32)
    item_ids = jax.random.randint(k2, (BATCH,), 0, NUM_ITEM, dtype=jnp.int64 if jax.config.jax_enable_x64 else jnp.int32)
    emb_user = jax.random.normal(k3, (NUM_USER, HIDDEN), dtype=jnp.float32) * 0.01
    emb_item = jax.random.normal(k4, (NUM_ITEM, HIDDEN), dtype=jnp.float32) * 0.01
    return {"user_ids": user_ids, "item_ids": item_ids, "emb_user": emb_user, "emb_item": emb_item}


def reference(user_ids, item_ids, emb_user, emb_item):
    # PMF: gather user/item latent factors, elementwise dot product per
    # (user, item) interaction, then ReLU on the predicted ratings.
    u = jnp.take(emb_user, user_ids, axis=0)   # [B, H] gather from user table
    v = jnp.take(emb_item, item_ids, axis=0)   # [B, H] gather from item table
    predict_ratings = jnp.sum(u * v, axis=-1)  # [B] per-pair dot product (mm in original)
    return jax.nn.relu(predict_ratings)

if __name__ == "__main__":
    import jax
    _d = setup_inputs()
    print(jax.jit(kernel)(*tuple(_d.values())))

</pallas_src>

<mosaic_0001>
#map = affine_map<(d0, d1) -> (0)>
#map1 = affine_map<(d0, d1) -> (0, 0, 0)>
module attributes {stable_mosaic.version = 14 : i64} {
  func.func @_pmf_body(%arg0: i32, %arg1: i32, %arg2: memref<16384xi32, #tpu.memory_space<hbm>>, %arg3: memref<16384xi32, #tpu.memory_space<hbm>>, %arg4: memref<4x8x1000000xf32, #tpu.memory_space<hbm>>, %arg5: memref<4x8x1000000xf32, #tpu.memory_space<hbm>>, %arg6: memref<16384xf32, #tpu.memory_space<hbm>>, %arg7: memref<528xi32, #tpu.memory_space<vmem>>, %arg8: memref<528xi32, #tpu.memory_space<vmem>>, %arg9: memref<4x8x1024xf32, #tpu.memory_space<vmem>>, %arg10: memref<4x8x1024xf32, #tpu.memory_space<vmem>>, %arg11: memref<512xf32, #tpu.memory_space<vmem>>, %arg12: memref<!tpu.dma_semaphore, #tpu.memory_space<semaphore_mem>>, %arg13: memref<!tpu.dma_semaphore, #tpu.memory_space<semaphore_mem>>, %arg14: memref<!tpu.dma_semaphore, #tpu.memory_space<semaphore_mem>>, %arg15: memref<!tpu.dma_semaphore, #tpu.memory_space<semaphore_mem>>) attributes {dimension_semantics = [#tpu.dimension_semantics<core_parallel>, #tpu.dimension_semantics<subcore_parallel>], iteration_bounds = array<i64: 2, 16>, scalar_prefetch = 0 : i64, scratch_operands = 9 : i64, tpu.core_type = #tpu.core_type<sc_vector_subcore>, window_params = [{transform_indices = #map}, {transform_indices = #map}, {transform_indices = #map1}, {transform_indices = #map1}, {transform_indices = #map}]} {
    %mul3A = arith.constant 2 : i32
    %mul3A_0 = arith.muli %arg1, %mul3A : i32
    %add3A = arith.addi %mul3A_0, %arg0 : i32
    %mul3A_1 = arith.constant 512 : i32
    %mul3A_2 = arith.muli %add3A, %mul3A_1 : i32
    "tpu.region"() ({
      %run_scoped3A = tpu.sem_alloc : memref<!tpu.dma_semaphore, #tpu.memory_space<semaphore_mem>>
      %dma_start3A_274 = arith.constant 0 : i32
      %dma_start3A_275 = tpu.memref_slice %arg7[%dma_start3A_274] : memref<528xi32, #tpu.memory_space<vmem>> -> memref<512xi32, #tpu.memory_space<vmem>>
      %dma_start3A_276 = tpu.memref_slice %arg2[%mul3A_2] : memref<16384xi32, #tpu.memory_space<hbm>> -> memref<512xi32, #tpu.memory_space<hbm>>
      %dma_start3A_277 = arith.constant 0 : i32
      %dma_start3A_278 = tpu.memref_slice %arg7[%dma_start3A_277] : memref<528xi32, #tpu.memory_space<vmem>> -> memref<512xi32, #tpu.memory_space<vmem>>
      %dma_start3A_279 = tpu.memref_slice %arg2[%mul3A_2] : memref<16384xi32, #tpu.memory_space<hbm>> -> memref<512xi32, #tpu.memory_space<hbm>>
      tpu.enqueue_dma source(%dma_start3A_279 : memref<512xi32, #tpu.memory_space<hbm>>) target(%dma_start3A_278 : memref<512xi32, #tpu.memory_space<vmem>>) target_semaphore(%run_scoped3A : memref<!tpu.dma_semaphore, #tpu.memory_space<semaphore_mem>>)
      %dma_wait3A = arith.constant 0 : i32
      %dma_wait3A_280 = tpu.memref_slice %arg7[%dma_wait3A] : memref<528xi32, #tpu.memory_space<vmem>> -> memref<512xi32, #tpu.memory_space<vmem>>
      %dma_wait3A_281 = tpu.memref_slice %arg2[%mul3A_2] : memref<16384xi32, #tpu.memory_space<hbm>> -> memref<512xi32, #tpu.memory_space<hbm>>
      %dma_wait3A_282 = arith.constant 0 : i32
      %dma_wait3A_283 = tpu.memref_slice %arg7[%dma_wait3A_282] : memref<528xi32, #tpu.memory_space<vmem>> -> memref<512xi32, #tpu.memory_space<vmem>>
      %dma_wait3A_284 = tpu.memref_slice %arg2[%mul3A_2] : memref<16384xi32, #tpu.memory_space<hbm>> -> memref<512xi32, #tpu.memory_space<hbm>>
      tpu.wait_dma2 semaphore(%run_scoped3A : memref<!tpu.dma_semaphore, #tpu.memory_space<semaphore_mem>>) src(%dma_wait3A_284 : memref<512xi32, #tpu.memory_space<hbm>>) dst(%dma_wait3A_283 : memref<512xi32, #tpu.memory_space<vmem>>)
      tpu.yield
    }) : () -> ()
    "tpu.region"() ({
      %run_scoped3A = tpu.sem_alloc : memref<!tpu.dma_semaphore, #tpu.memory_space<semaphore_mem>>
      %dma_start3A_274 = arith.constant 0 : i32
      %dma_start3A_275 = tpu.memref_slice %arg8[%dma_start3A_274] : memref<528xi32, #tpu.memory_space<vmem>> -> memref<512xi32, #tpu.memory_space<vmem>>
      %dma_start3A_276 = tpu.memref_slice %arg3[%mul3A_2] : memref<16384xi32, #tpu.memory_space<hbm>> -> memref<512xi32, #tpu.memory_space<hbm>>
      %dma_start3A_277 = arith.constant 0 : i32
      %dma_start3A_278 = tpu.memref_slice %arg8[%dma_start3A_277] : memref<528xi32, #tpu.memory_space<vmem>> -> memref<512xi32, #tpu.memory_space<vmem>>
      %dma_start3A_279 = tpu.memref_slice %arg3[%mul3A_2] : memref<16384xi32, #tpu.memory_space<hbm>> -> memref<512xi32, #tpu.memory_space<hbm>>
      tpu.enqueue_dma source(%dma_start3A_279 : memref<512xi32, #tpu.memory_space<hbm>>) target(%dma_start3A_278 : memref<512xi32, #tpu.memory_space<vmem>>) target_semaphore(%run_scoped3A : memref<!tpu.dma_semaphore, #tpu.memory_space<semaphore_mem>>)
      %dma_wait3A = arith.constant 0 : i32
      %dma_wait3A_280 = tpu.memref_slice %arg8[%dma_wait3A] : memref<528xi32, #tpu.memory_space<vmem>> -> memref<512xi32, #tpu.memory_space<vmem>>
      %dma_wait3A_281 = tpu.memref_slice %arg3[%mul3A_2] : memref<16384xi32, #tpu.memory_space<hbm>> -> memref<512xi32, #tpu.memory_space<hbm>>
      %dma_wait3A_282 = arith.constant 0 : i32
      %dma_wait3A_283 = tpu.memref_slice %arg8[%dma_wait3A_282] : memref<528xi32, #tpu.memory_space<vmem>> -> memref<512xi32, #tpu.memory_space<vmem>>
      %dma_wait3A_284 = tpu.memref_slice %arg3[%mul3A_2] : memref<16384xi32, #tpu.memory_space<hbm>> -> memref<512xi32, #tpu.memory_space<hbm>>
      tpu.wait_dma2 semaphore(%run_scoped3A : memref<!tpu.dma_semaphore, #tpu.memory_space<semaphore_mem>>) src(%dma_wait3A_284 : memref<512xi32, #tpu.memory_space<hbm>>) dst(%dma_wait3A_283 : memref<512xi32, #tpu.memory_space<vmem>>)
      tpu.yield
    }) : () -> ()
    %iota3A = tpu.iota {dimensions = array<i32: 0>} : vector<16xi32>
    %eq3A = arith.constant 0 : i32
    %eq3A_3 = vector.broadcast %eq3A : i32 to vector<16xi32>
    %eq3A_4 = arith.cmpi eq, %iota3A, %eq3A_3 : vector<16xi32>
    %iota3A_5 = tpu.iota {dimensions = array<i32: 0>} : vector<16xi32>
    %jit3A = arith.constant 8 : i32
    %div3A = vector.broadcast %jit3A : i32 to vector<16xi32>
    %div3A_6 = arith.divsi %iota3A_5, %div3A : vector<16xi32>
    %sign3A = arith.constant 0 : i32
    %sign3A_7 = vector.broadcast %sign3A : i32 to vector<16xi32>
    %sign3A_8 = arith.cmpi sgt, %iota3A_5, %sign3A_7 : vector<16xi32>
    %sign3A_9 = arith.extui %sign3A_8 : vector<16xi1> to vector<16xi32>
    %sign3A_10 = arith.constant 0 : i32
    %sign3A_11 = vector.broadcast %sign3A_10 : i32 to vector<16xi32>
    %sign3A_12 = arith.cmpi slt, %iota3A_5, %sign3A_11 : vector<16xi32>
    %sign3A_13 = arith.extui %sign3A_12 : vector<16xi1> to vector<16xi32>
    %sign3A_14 = arith.subi %sign3A_9, %sign3A_13 : vector<16xi32>
    %sign3A_15 = arith.constant 0 : i32
    %sign3A_16 = arith.cmpi sgt, %jit3A, %sign3A_15 : i32
    %sign3A_17 = arith.extui %sign3A_16 : i1 to i32
    %sign3A_18 = arith.constant 0 : i32
    %sign3A_19 = arith.cmpi slt, %jit3A, %sign3A_18 : i32
    %sign3A_20 = arith.extui %sign3A_19 : i1 to i32
    %sign3A_21 = arith.subi %sign3A_17, %sign3A_20 : i32
    %ne3A = vector.broadcast %sign3A_21 : i32 to vector<16xi32>
    %ne3A_22 = arith.cmpi ne, %sign3A_14, %ne3A : vector<16xi32>
    %rem3A = vector.broadcast %jit3A : i32 to vector<16xi32>
    %rem3A_23 = arith.remsi %iota3A_5, %rem3A : vector<16xi32>
    %ne3A_24 = arith.constant 0 : i32
    %ne3A_25 = vector.broadcast %ne3A_24 : i32 to vector<16xi32>
    %ne3A_26 = arith.cmpi ne, %rem3A_23, %ne3A_25 : vector<16xi32>
    %and3A = arith.andi %ne3A_22, %ne3A_26 : vector<16xi1>
    %sub3A = arith.constant 1 : i32
    %sub3A_27 = vector.broadcast %sub3A : i32 to vector<16xi32>
    %sub3A_28 = arith.subi %div3A_6, %sub3A_27 : vector<16xi32>
    %select_n3A = arith.select %and3A, %sub3A_28, %div3A_6 : vector<16xi1>, vector<16xi32>
    %jit3A_29 = arith.constant 8 : i32
    %eq3A_30 = arith.constant 0 : i32
    %eq3A_31 = arith.cmpi eq, %jit3A_29, %eq3A_30 : i32
    %jit3A_32 = arith.constant 1 : i32
    %select_n3A_33 = arith.select %eq3A_31, %jit3A_32, %jit3A_29 : i32
    %rem3A_34 = vector.broadcast %select_n3A_33 : i32 to vector<16xi32>
    %rem3A_35 = arith.remsi %iota3A_5, %rem3A_34 : vector<16xi32>
    %ne3A_36 = arith.constant 0 : i32
    %ne3A_37 = vector.broadcast %ne3A_36 : i32 to vector<16xi32>
    %ne3A_38 = arith.cmpi ne, %rem3A_35, %ne3A_37 : vector<16xi32>
    %lt3A = arith.constant 0 : i32
    %lt3A_39 = vector.broadcast %lt3A : i32 to vector<16xi32>
    %lt3A_40 = arith.cmpi slt, %rem3A_35, %lt3A_39 : vector<16xi32>
    %lt3A_41 = arith.constant 0 : i32
    %lt3A_42 = arith.cmpi slt, %select_n3A_33, %lt3A_41 : i32
    %ne3A_43 = vector.broadcast %lt3A_42 : i1 to vector<16xi1>
    %ne3A_44 = vector.broadcast %ne3A_43 : vector<16xi1> to vector<16xi1>
    %ne3A_45 = arith.xori %lt3A_40, %ne3A_44 : vector<16xi1>
    %and3A_46 = arith.andi %ne3A_45, %ne3A_38 : vector<16xi1>
    %add3A_47 = vector.broadcast %select_n3A_33 : i32 to vector<16xi32>
    %add3A_48 = arith.addi %rem3A_35, %add3A_47 : vector<16xi32>
    %select_n3A_49 = arith.select %and3A_46, %add3A_48, %rem3A_35 : vector<16xi1>, vector<16xi32>
    %broadcast_in_dim3A = arith.constant 0.000000e+00 : f32
    %broadcast_in_dim3A_50 = vector.broadcast %broadcast_in_dim3A : f32 to vector<16xf32>
    %get3A = arith.constant 0 : index
    %get3A_51 = tpu.vector_load %arg7[%get3A] {strides = array<i32>} : memref<528xi32, #tpu.memory_space<vmem>>, vector<16xi32>,
    %jit3A_52 = arith.constant 0 : i32
    %broadcast_in_dim3A_53 = vector.broadcast %jit3A_52 : i32 to vector<16xi32>
    %select_n3A_54 = arith.select %eq3A_4, %get3A_51, %broadcast_in_dim3A_53 : vector<16xi1>, vector<16xi32>
    %reduce_sum3A = arith.constant true
    %reduce_sum3A_55 = vector.broadcast %reduce_sum3A : i1 to vector<16xi1>
    %reduce_sum3A_56 = tpu.scan <sum>, %select_n3A_54 masked %reduce_sum3A_55 : vector<16xi32>, vector<16xi1> -> vector<16xi32>
    %reduce_sum3A_57 = vector.extract %reduce_sum3A_56[15] : i32 from vector<16xi32>
    %get3A_58 = arith.constant 0 : index
    %get3A_59 = tpu.vector_load %arg8[%get3A_58] {strides = array<i32>} : memref<528xi32, #tpu.memory_space<vmem>>, vector<16xi32>,
    %jit3A_60 = arith.constant 0 : i32
    %broadcast_in_dim3A_61 = vector.broadcast %jit3A_60 : i32 to vector<16xi32>
    %select_n3A_62 = arith.select %eq3A_4, %get3A_59, %broadcast_in_dim3A_61 : vector<16xi1>, vector<16xi32>
    %reduce_sum3A_63 = arith.constant true
    %reduce_sum3A_64 = vector.broadcast %reduce_sum3A_63 : i1 to vector<16xi1>
    %reduce_sum3A_65 = tpu.scan <sum>, %select_n3A_62 masked %reduce_sum3A_64 : vector<16xi32>, vector<16xi1> -> vector<16xi32>
    %reduce_sum3A_66 = vector.extract %reduce_sum3A_65[15] : i32 from vector<16xi32>
    %shift_right_logical3A = arith.constant 7 : i32
    %shift_right_logical3A_67 = arith.shrui %reduce_sum3A_57, %shift_right_logical3A : i32
    %shift_left3A = arith.constant 7 : i32
    %shift_left3A_68 = arith.shli %shift_right_logical3A_67, %shift_left3A : i32
    %multiple_of3A = tpu.assume_multiple %shift_left3A_68, 128 : i32
    %shift_right_logical3A_69 = arith.constant 7 : i32
    %shift_right_logical3A_70 = arith.shrui %reduce_sum3A_66, %shift_right_logical3A_69 : i32
    %shift_left3A_71 = arith.constant 7 : i32
    %shift_left3A_72 = arith.shli %shift_right_logical3A_70, %shift_left3A_71 : i32
    %multiple_of3A_73 = tpu.assume_multiple %shift_left3A_72, 128 : i32
    %dma_start3A = arith.constant 0 : i32
    %dma_start3A_74 = arith.constant 0 : i32
    %dma_start3A_75 = arith.constant 0 : i32
    %dma_start3A_76 = tpu.memref_slice %arg9[%dma_start3A, %dma_start3A_74, %dma_start3A_75] : memref<4x8x1024xf32, #tpu.memory_space<vmem>> -> memref<4x8x128xf32, #tpu.memory_space<vmem>>
    %dma_start3A_77 = arith.constant 0 : i32
    %dma_start3A_78 = arith.constant 0 : i32
    %dma_start3A_79 = tpu.memref_slice %arg4[%dma_start3A_77, %dma_start3A_78, %multiple_of3A] : memref<4x8x1000000xf32, #tpu.memory_space<hbm>> -> memref<4x8x128xf32, #tpu.memory_space<hbm>>
    %dma_start3A_80 = arith.constant 0 : i32
    %dma_start3A_81 = arith.constant 0 : i32
    %dma_start3A_82 = arith.constant 0 : i32
    %dma_start3A_83 = tpu.memref_slice %arg9[%dma_start3A_80, %dma_start3A_81, %dma_start3A_82] : memref<4x8x1024xf32, #tpu.memory_space<vmem>> -> memref<4x8x128xf32, #tpu.memory_space<vmem>>
    %dma_start3A_84 = arith.constant 0 : i32
    %dma_start3A_85 = arith.constant 0 : i32
    %dma_start3A_86 = tpu.memref_slice %arg4[%dma_start3A_84, %dma_start3A_85, %multiple_of3A] : memref<4x8x1000000xf32, #tpu.memory_space<hbm>> -> memref<4x8x128xf32, #tpu.memory_space<hbm>>
    tpu.enqueue_dma source(%dma_start3A_86 : memref<4x8x128xf32, #tpu.memory_space<hbm>>) target(%dma_start3A_83 : memref<4x8x128xf32, #tpu.memory_space<vmem>>) target_semaphore(%arg12 : memref<!tpu.dma_semaphore, #tpu.memory_space<semaphore_mem>>)
    %dma_start3A_87 = arith.constant 0 : i32
    %dma_start3A_88 = arith.constant 0 : i32
    %dma_start3A_89 = arith.constant 0 : i32
    %dma_start3A_90 = tpu.memref_slice %arg10[%dma_start3A_87, %dma_start3A_88, %dma_start3A_89] : memref<4x8x1024xf32, #tpu.memory_space<vmem>> -> memref<4x8x128xf32, #tpu.memory_space<vmem>>
    %dma_start3A_91 = arith.constant 0 : i32
    %dma_start3A_92 = arith.constant 0 : i32
    %dma_start3A_93 = tpu.memref_slice %arg5[%dma_start3A_91, %dma_start3A_92, %multiple_of3A_73] : memref<4x8x1000000xf32, #tpu.memory_space<hbm>> -> memref<4x8x128xf32, #tpu.memory_space<hbm>>
    %dma_start3A_94 = arith.constant 0 : i32
    %dma_start3A_95 = arith.constant 0 : i32
    %dma_start3A_96 = arith.constant 0 : i32
    %dma_start3A_97 = tpu.memref_slice %arg10[%dma_start3A_94, %dma_start3A_95, %dma_start3A_96] : memref<4x8x1024xf32, #tpu.memory_space<vmem>> -> memref<4x8x128xf32, #tpu.memory_space<vmem>>
    %dma_start3A_98 = arith.constant 0 : i32
    %dma_start3A_99 = arith.constant 0 : i32
    %dma_start3A_100 = tpu.memref_slice %arg5[%dma_start3A_98, %dma_start3A_99, %multiple_of3A_73] : memref<4x8x1000000xf32, #tpu.memory_space<hbm>> -> memref<4x8x128xf32, #tpu.memory_space<hbm>>
    tpu.enqueue_dma source(%dma_start3A_100 : memref<4x8x128xf32, #tpu.memory_space<hbm>>) target(%dma_start3A_97 : memref<4x8x128xf32, #tpu.memory_space<vmem>>) target_semaphore(%arg13 : memref<!tpu.dma_semaphore, #tpu.memory_space<semaphore_mem>>)
    %get3A_101 = arith.constant 1 : index
    %get3A_102 = tpu.vector_load %arg7[%get3A_101] {strides = array<i32>} : memref<528xi32, #tpu.memory_space<vmem>>, vector<16xi32>,
    %jit3A_103 = arith.constant 0 : i32
    %broadcast_in_dim3A_104 = vector.broadcast %jit3A_103 : i32 to vector<16xi32>
    %select_n3A_105 = arith.select %eq3A_4, %get3A_102, %broadcast_in_dim3A_104 : vector<16xi1>, vector<16xi32>
    %reduce_sum3A_106 = arith.constant true
    %reduce_sum3A_107 = vector.broadcast %reduce_sum3A_106 : i1 to vector<16xi1>
    %reduce_sum3A_108 = tpu.scan <sum>, %select_n3A_105 masked %reduce_sum3A_107 : vector<16xi32>, vector<16xi1> -> vector<16xi32>
    %reduce_sum3A_109 = vector.extract %reduce_sum3A_108[15] : i32 from vector<16xi32>
    %get3A_110 = arith.constant 1 : index
    %get3A_111 = tpu.vector_load %arg8[%get3A_110] {strides = array<i32>} : memref<528xi32, #tpu.memory_space<vmem>>, vector<16xi32>,
    %jit3A_112 = arith.constant 0 : i32
    %broadcast_in_dim3A_113 = vector.broadcast %jit3A_112 : i32 to vector<16xi32>
    %select_n3A_114 = arith.select %eq3A_4, %get3A_111, %broadcast_in_dim3A_113 : vector<16xi1>, vector<16xi32>
    %reduce_sum3A_115 = arith.constant true
    %reduce_sum3A_116 = vector.broadcast %reduce_sum3A_115 : i1 to vector<16xi1>
    %reduce_sum3A_117 = tpu.scan <sum>, %select_n3A_114 masked %reduce_sum3A_116 : vector<16xi32>, vector<16xi1> -> vector<16xi32>
    %reduce_sum3A_118 = vector.extract %reduce_sum3A_117[15] : i32 from vector<16xi32>
    %shift_right_logical3A_119 = arith.constant 7 : i32
    %shift_right_logical3A_120 = arith.shrui %reduce_sum3A_109, %shift_right_logical3A_119 : i32
    %shift_left3A_121 = arith.constant 7 : i32
    %shift_left3A_122 = arith.shli %shift_right_logical3A_120, %shift_left3A_121 : i32
    %multiple_of3A_123 = tpu.assume_multiple %shift_left3A_122, 128 : i32
    %shift_right_logical3A_124 = arith.constant 7 : i32
    %shift_right_logical3A_125 = arith.shrui %reduce_sum3A_118, %shift_right_logical3A_124 : i32
    %shift_left3A_126 = arith.constant 7 : i32
    %shift_left3A_127 = arith.shli %shift_right_logical3A_125, %shift_left3A_126 : i32
    %multiple_of3A_128 = tpu.assume_multiple %shift_left3A_127, 128 : i32
    %dma_start3A_129 = arith.constant 0 : i32
    %dma_start3A_130 = arith.constant 0 : i32
    %dma_start3A_131 = arith.constant 128 : i32
    %dma_start3A_132 = tpu.memref_slice %arg9[%dma_start3A_129, %dma_start3A_130, %dma_start3A_131] : memref<4x8x1024xf32, #tpu.memory_space<vmem>> -> memref<4x8x128xf32, #tpu.memory_space<vmem>>
    %dma_start3A_133 = arith.constant 0 : i32
    %dma_start3A_134 = arith.constant 0 : i32
    %dma_start3A_135 = tpu.memref_slice %arg4[%dma_start3A_133, %dma_start3A_134, %multiple_of3A_123] : memref<4x8x1000000xf32, #tpu.memory_space<hbm>> -> memref<4x8x128xf32, #tpu.memory_space<hbm>>
    %dma_start3A_136 = arith.constant 0 : i32
    %dma_start3A_137 = arith.constant 0 : i32
    %dma_start3A_138 = arith.constant 128 : i32
    %dma_start3A_139 = tpu.memref_slice %arg9[%dma_start3A_136, %dma_start3A_137, %dma_start3A_138] : memref<4x8x1024xf32, #tpu.memory_space<vmem>> -> memref<4x8x128xf32, #tpu.memory_space<vmem>>
    %dma_start3A_140 = arith.constant 0 : i32
    %dma_start3A_141 = arith.constant 0 : i32
    %dma_start3A_142 = tpu.memref_slice %arg4[%dma_start3A_140, %dma_start3A_141, %multiple_of3A_123] : memref<4x8x1000000xf32, #tpu.memory_space<hbm>> -> memref<4x8x128xf32, #tpu.memory_space<hbm>>
    tpu.enqueue_dma source(%dma_start3A_142 : memref<4x8x128xf32, #tpu.memory_space<hbm>>) target(%dma_start3A_139 : memref<4x8x128xf32, #tpu.memory_space<vmem>>) target_semaphore(%arg12 : memref<!tpu.dma_semaphore, #tpu.memory_space<semaphore_mem>>)
    %dma_start3A_143 = arith.constant 0 : i32
    %dma_start3A_144 = arith.constant 0 : i32
    %dma_start3A_145 = arith.constant 128 : i32
    %dma_start3A_146 = tpu.memref_slice %arg10[%dma_start3A_143, %dma_start3A_144, %dma_start3A_145] : memref<4x8x1024xf32, #tpu.memory_space<vmem>> -> memref<4x8x128xf32, #tpu.memory_space<vmem>>
    %dma_start3A_147 = arith.constant 0 : i32
    %dma_start3A_148 = arith.constant 0 : i32
    %dma_start3A_149 = tpu.memref_slice %arg5[%dma_start3A_147, %dma_start3A_148, %multiple_of3A_128] : memref<4x8x1000000xf32, #tpu.memory_space<hbm>> -> memref<4x8x128xf32, #tpu.memory_space<hbm>>
    %dma_start3A_150 = arith.constant 0 : i32
    %dma_start3A_151 = arith.constant 0 : i32
    %dma_start3A_152 = arith.constant 128 : i32
    %dma_start3A_153 = tpu.memref_slice %arg10[%dma_start3A_150, %dma_start3A_151, %dma_start3A_152] : memref<4x8x1024xf32, #tpu.memory_space<vmem>> -> memref<4x8x128xf32, #tpu.memory_space<vmem>>
    %dma_start3A_154 = arith.constant 0 : i32
    %dma_start3A_155 = arith.constant 0 : i32
    %dma_start3A_156 = tpu.memref_slice %arg5[%dma_start3A_154, %dma_start3A_155, %multiple_of3A_128] : memref<4x8x1000000xf32, #tpu.memory_space<hbm>> -> memref<4x8x128xf32, #tpu.memory_space<hbm>>
    tpu.enqueue_dma source(%dma_start3A_156 : memref<4x8x128xf32, #tpu.memory_space<hbm>>) target(%dma_start3A_153 : memref<4x8x128xf32, #tpu.memory_space<vmem>>) target_semaphore(%arg13 : memref<!tpu.dma_semaphore, #tpu.memory_space<semaphore_mem>>)
    %get3A_157 = arith.constant 2 : index
    %get3A_158 = tpu.vector_load %arg7[%get3A_157] {strides = array<i32>} : memref<528xi32, #tpu.memory_space<vmem>>, vector<16xi32>,
    %jit3A_159 = arith.constant 0 : i32
    %broadcast_in_dim3A_160 = vector.broadcast %jit3A_159 : i32 to vector<16xi32>
    %select_n3A_161 = arith.select %eq3A_4, %get3A_158, %broadcast_in_dim3A_160 : vector<16xi1>, vector<16xi32>
    %reduce_sum3A_162 = arith.constant true
    %reduce_sum3A_163 = vector.broadcast %reduce_sum3A_162 : i1 to vector<16xi1>
    %reduce_sum3A_164 = tpu.scan <sum>, %select_n3A_161 masked %reduce_sum3A_163 : vector<16xi32>, vector<16xi1> -> vector<16xi32>
    %reduce_sum3A_165 = vector.extract %reduce_sum3A_164[15] : i32 from vector<16xi32>
    %get3A_166 = arith.constant 2 : index
    %get3A_167 = tpu.vector_load %arg8[%get3A_166] {strides = array<i32>} : memref<528xi32, #tpu.memory_space<vmem>>, vector<16xi32>,
    %jit3A_168 = arith.constant 0 : i32
    %broadcast_in_dim3A_169 = vector.broadcast %jit3A_168 : i32 to vector<16xi32>
    %select_n3A_170 = arith.select %eq3A_4, %get3A_167, %broadcast_in_dim3A_169 : vector<16xi1>, vector<16xi32>
    %reduce_sum3A_171 = arith.constant true
    %reduce_sum3A_172 = vector.broadcast %reduce_sum3A_171 : i1 to vector<16xi1>
    %reduce_sum3A_173 = tpu.scan <sum>, %select_n3A_170 masked %reduce_sum3A_172 : vector<16xi32>, vector<16xi1> -> vector<16xi32>
    %reduce_sum3A_174 = vector.extract %reduce_sum3A_173[15] : i32 from vector<16xi32>
    %shift_right_logical3A_175 = arith.constant 7 : i32
    %shift_right_logical3A_176 = arith.shrui %reduce_sum3A_165, %shift_right_logical3A_175 : i32
    %shift_left3A_177 = arith.constant 7 : i32
    %shift_left3A_178 = arith.shli %shift_right_logical3A_176, %shift_left3A_177 : i32
    %multiple_of3A_179 = tpu.assume_multiple %shift_left3A_178, 128 : i32
    %shift_right_logical3A_180 = arith.constant 7 : i32
    %shift_right_logical3A_181 = arith.shrui %reduce_sum3A_174, %shift_right_logical3A_180 : i32
    %shift_left3A_182 = arith.constant 7 : i32
    %shift_left3A_183 = arith.shli %shift_right_logical3A_181, %shift_left3A_182 : i32
    %multiple_of3A_184 = tpu.assume_multiple %shift_left3A_183, 128 : i32
    %dma_start3A_185 = arith.constant 0 : i32
    %dma_start3A_186 = arith.constant 0 : i32
    %dma_start3A_187 = arith.constant 256 : i32
    %dma_start3A_188 = tpu.memref_slice %arg9[%dma_start3A_185, %dma_start3A_186, %dma_start3A_187] : memref<4x8x1024xf32, #tpu.memory_space<vmem>> -> memref<4x8x128xf32, #tpu.memory_space<vmem>>
    %dma_start3A_189 = arith.constant 0 : i32
    %dma_start3A_190 = arith.constant 0 : i32
    %dma_start3A_191 = tpu.memref_slice %arg4[%dma_start3A_189, %dma_start3A_190, %multiple_of3A_179] : memref<4x8x1000000xf32, #tpu.memory_space<hbm>> -> memref<4x8x128xf32, #tpu.memory_space<hbm>>
    %dma_start3A_192 = arith.constant 0 : i32
    %dma_start3A_193 = arith.constant 0 : i32
    %dma_start3A_194 = arith.constant 256 : i32
    %dma_start3A_195 = tpu.memref_slice %arg9[%dma_start3A_192, %dma_start3A_193, %dma_start3A_194] : memref<4x8x1024xf32, #tpu.memory_space<vmem>> -> memref<4x8x128xf32, #tpu.memory_space<vmem>>
    %dma_start3A_196 = arith.constant 0 : i32
    %dma_start3A_197 = arith.constant 0 : i32
    %dma_start3A_198 = tpu.memref_slice %arg4[%dma_start3A_196, %dma_start3A_197, %multiple_of3A_179] : memref<4x8x1000000xf32, #tpu.memory_space<hbm>> -> memref<4x8x128xf32, #tpu.memory_space<hbm>>
    tpu.enqueue_dma source(%dma_start3A_198 : memref<4x8x128xf32, #tpu.memory_space<hbm>>) target(%dma_start3A_195 : memref<4x8x128xf32, #tpu.memory_space<vmem>>) target_semaphore(%arg12 : memref<!tpu.dma_semaphore, #tpu.memory_space<semaphore_mem>>)
    %dma_start3A_199 = arith.constant 0 : i32
    %dma_start3A_200 = arith.constant 0 : i32
    %dma_start3A_201 = arith.constant 256 : i32
    %dma_start3A_202 = tpu.memref_slice %arg10[%dma_start3A_199, %dma_start3A_200, %dma_start3A_201] : memref<4x8x1024xf32, #tpu.memory_space<vmem>> -> memref<4x8x128xf32, #tpu.memory_space<vmem>>
    %dma_start3A_203 = arith.constant 0 : i32
    %dma_start3A_204 = arith.constant 0 : i32
    %dma_start3A_205 = tpu.memref_slice %arg5[%dma_start3A_203, %dma_start3A_204, %multiple_of3A_184] : memref<4x8x1000000xf32, #tpu.memory_space<hbm>> -> memref<4x8x128xf32, #tpu.memory_space<hbm>>
    %dma_start3A_206 = arith.constant 0 : i32
    %dma_start3A_207 = arith.constant 0 : i32
    %dma_start3A_208 = arith.constant 256 : i32
    %dma_start3A_209 = tpu.memref_slice %arg10[%dma_start3A_206, %dma_start3A_207, %dma_start3A_208] : memref<4x8x1024xf32, #tpu.memory_space<vmem>> -> memref<4x8x128xf32, #tpu.memory_space<vmem>>
    %dma_start3A_210 = arith.constant 0 : i32
    %dma_start3A_211 = arith.constant 0 : i32
    %dma_start3A_212 = tpu.memref_slice %arg5[%dma_start3A_210, %dma_start3A_211, %multiple_of3A_184] : memref<4x8x1000000xf32, #tpu.memory_space<hbm>> -> memref<4x8x128xf32, #tpu.memory_space<hbm>>
    tpu.enqueue_dma source(%dma_start3A_212 : memref<4x8x128xf32, #tpu.memory_space<hbm>>) target(%dma_start3A_209 : memref<4x8x128xf32, #tpu.memory_space<vmem>>) target_semaphore(%arg13 : memref<!tpu.dma_semaphore, #tpu.memory_space<semaphore_mem>>)
    %get3A_213 = arith.constant 3 : index
    %get3A_214 = tpu.vector_load %arg7[%get3A_213] {strides = array<i32>} : memref<528xi32, #tpu.memory_space<vmem>>, vector<16xi32>,
    %jit3A_215 = arith.constant 0 : i32
    %broadcast_in_dim3A_216 = vector.broadcast %jit3A_215 : i32 to vector<16xi32>
    %select_n3A_217 = arith.select %eq3A_4, %get3A_214, %broadcast_in_dim3A_216 : vector<16xi1>, vector<16xi32>
    %reduce_sum3A_218 = arith.constant true
    %reduce_sum3A_219 = vector.broadcast %reduce_sum3A_218 : i1 to vector<16xi1>
    %reduce_sum3A_220 = tpu.scan <sum>, %select_n3A_217 masked %reduce_sum3A_219 : vector<16xi32>, vector<16xi1> -> vector<16xi32>
    %reduce_sum3A_221 = vector.extract %reduce_sum3A_220[15] : i32 from vector<16xi32>
    %get3A_222 = arith.constant 3 : index
    %get3A_223 = tpu.vector_load %arg8[%get3A_222] {strides = array<i32>} : memref<528xi32, #tpu.memory_space<vmem>>, vector<16xi32>,
    %jit3A_224 = arith.constant 0 : i32
    %broadcast_in_dim3A_225 = vector.broadcast %jit3A_224 : i32 to vector<16xi32>
    %select_n3A_226 = arith.select %eq3A_4, %get3A_223, %broadcast_in_dim3A_225 : vector<16xi1>, vector<16xi32>
    %reduce_sum3A_227 = arith.constant true
    %reduce_sum3A_228 = vector.broadcast %reduce_sum3A_227 : i1 to vector<16xi1>
    %reduce_sum3A_229 = tpu.scan <sum>, %select_n3A_226 masked %reduce_sum3A_228 : vector<16xi32>, vector<16xi1> -> vector<16xi32>
    %reduce_sum3A_230 = vector.extract %reduce_sum3A_229[15] : i32 from vector<16xi32>
    %shift_right_logical3A_231 = arith.constant 7 : i32
    %shift_right_logical3A_232 = arith.shrui %reduce_sum3A_221, %shift_right_logical3A_231 : i32
    %shift_left3A_233 = arith.constant 7 : i32
    %shift_left3A_234 = arith.shli %shift_right_logical3A_232, %shift_left3A_233 : i32
    %multiple_of3A_235 = tpu.assume_multiple %shift_left3A_234, 128 : i32
    %shift_right_logical3A_236 = arith.constant 7 : i32
    %shift_right_logical3A_237 = arith.shrui %reduce_sum3A_230, %shift_right_logical3A_236 : i32
    %shift_left3A_238 = arith.constant 7 : i32
    %shift_left3A_239 = arith.shli %shift_right_logical3A_237, %shift_left3A_238 : i32
    %multiple_of3A_240 = tpu.assume_multiple %shift_left3A_239, 128 : i32
    %dma_start3A_241 = arith.constant 0 : i32
    %dma_start3A_242 = arith.constant 0 : i32
    %dma_start3A_243 = arith.constant 384 : i32
    %dma_start3A_244 = tpu.memref_slice %arg9[%dma_start3A_241, %dma_start3A_242, %dma_start3A_243] : memref<4x8x1024xf32, #tpu.memory_space<vmem>> -> memref<4x8x128xf32, #tpu.memory_space<vmem>>
    %dma_start3A_245 = arith.constant 0 : i32
    %dma_start3A_246 = arith.constant 0 : i32
    %dma_start3A_247 = tpu.memref_slice %arg4[%dma_start3A_245, %dma_start3A_246, %multiple_of3A_235] : memref<4x8x1000000xf32, #tpu.memory_space<hbm>> -> memref<4x8x128xf32, #tpu.memory_space<hbm>>
    %dma_start3A_248 = arith.constant 0 : i32
    %dma_start3A_249 = arith.constant 0 : i32
    %dma_start3A_250 = arith.constant 384 : i32
    %dma_start3A_251 = tpu.memref_slice %arg9[%dma_start3A_248, %dma_start3A_249, %dma_start3A_250] : memref<4x8x1024xf32, #tpu.memory_space<vmem>> -> memref<4x8x128xf32, #tpu.memory_space<vmem>>
    %dma_start3A_252 = arith.constant 0 : i32
    %dma_start3A_253 = arith.constant 0 : i32
    %dma_start3A_254 = tpu.memref_slice %arg4[%dma_start3A_252, %dma_start3A_253, %multiple_of3A_235] : memref<4x8x1000000xf32, #tpu.memory_space<hbm>> -> memref<4x8x128xf32, #tpu.memory_space<hbm>>
    tpu.enqueue_dma source(%dma_start3A_254 : memref<4x8x128xf32, #tpu.memory_space<hbm>>) target(%dma_start3A_251 : memref<4x8x128xf32, #tpu.memory_space<vmem>>) target_semaphore(%arg12 : memref<!tpu.dma_semaphore, #tpu.memory_space<semaphore_mem>>)
    %dma_start3A_255 = arith.constant 0 : i32
    %dma_start3A_256 = arith.constant 0 : i32
    %dma_start3A_257 = arith.constant 384 : i32
    %dma_start3A_258 = tpu.memref_slice %arg10[%dma_start3A_255, %dma_start3A_256, %dma_start3A_257] : memref<4x8x1024xf32, #tpu.memory_space<vmem>> -> memref<4x8x128xf32, #tpu.memory_space<vmem>>
    %dma_start3A_259 = arith.constant 0 : i32
    %dma_start3A_260 = arith.constant 0 : i32
    %dma_start3A_261 = tpu.memref_slice %arg5[%dma_start3A_259, %dma_start3A_260, %multiple_of3A_240] : memref<4x8x1000000xf32, #tpu.memory_space<hbm>> -> memref<4x8x128xf32, #tpu.memory_space<hbm>>
    %dma_start3A_262 = arith.constant 0 : i32
    %dma_start3A_263 = arith.constant 0 : i32
    %dma_start3A_264 = arith.constant 384 : i32
    %dma_start3A_265 = tpu.memref_slice %arg10[%dma_start3A_262, %dma_start3A_263, %dma_start3A_264] : memref<4x8x1024xf32, #tpu.memory_space<vmem>> -> memref<4x8x128xf32, #tpu.memory_space<vmem>>
    %dma_start3A_266 = arith.constant 0 : i32
    %dma_start3A_267 = arith.constant 0 : i32
    %dma_start3A_268 = tpu.memref_slice %arg5[%dma_start3A_266, %dma_start3A_267, %multiple_of3A_240] : memref<4x8x1000000xf32, #tpu.memory_space<hbm>> -> memref<4x8x128xf32, #tpu.memory_space<hbm>>
    tpu.enqueue_dma source(%dma_start3A_268 : memref<4x8x128xf32, #tpu.memory_space<hbm>>) target(%dma_start3A_265 : memref<4x8x128xf32, #tpu.memory_space<vmem>>) target_semaphore(%arg13 : memref<!tpu.dma_semaphore, #tpu.memory_space<semaphore_mem>>)
    %scan3A = arith.constant 0 : i32
    %scan3A_269 = arith.constant 64 : i32
    %scan3A_270 = arith.addi %scan3A, %scan3A_269 : i32
    %scan3A_271 = arith.constant 1 : i32
    %scan3A_272 = scf.for %scan3A_274 = %scan3A to %scan3A_270 step %scan3A_271 iter_args(%scan3A_275 = %broadcast_in_dim3A_50) -> (vector<16xf32>)  : i32 {
      %mul3A_276 = arith.constant 2 : i32
      %mul3A_277 = arith.muli %mul3A_276, %scan3A_274 : i32
      %add3A_278 = arith.constant 1 : i32
      %add3A_279 = arith.addi %mul3A_277, %add3A_278 : i32
      %mul3A_280 = arith.constant 4 : i32
      %mul3A_281 = arith.muli %add3A_279, %mul3A_280 : i32
      %add3A_282 = arith.constant 0 : i32
      %add3A_283 = arith.addi %mul3A_281, %add3A_282 : i32
      %get3A_284 = arith.index_cast %add3A_283 : i32 to index
      %get3A_285 = tpu.vector_load %arg7[%get3A_284] {strides = array<i32>} : memref<528xi32, #tpu.memory_space<vmem>>, vector<16xi32>,
      %jit3A_286 = arith.constant 0 : i32
      %broadcast_in_dim3A_287 = vector.broadcast %jit3A_286 : i32 to vector<16xi32>
      %select_n3A_288 = arith.select %eq3A_4, %get3A_285, %broadcast_in_dim3A_287 : vector<16xi1>, vector<16xi32>
      %reduce_sum3A_289 = arith.constant true
      %reduce_sum3A_290 = vector.broadcast %reduce_sum3A_289 : i1 to vector<16xi1>
      %reduce_sum3A_291 = tpu.scan <sum>, %select_n3A_288 masked %reduce_sum3A_290 : vector<16xi32>, vector<16xi1> -> vector<16xi32>
      %reduce_sum3A_292 = vector.extract %reduce_sum3A_291[15] : i32 from vector<16xi32>
      %get3A_293 = arith.index_cast %add3A_283 : i32 to index
      %get3A_294 = tpu.vector_load %arg8[%get3A_293] {strides = array<i32>} : memref<528xi32, #tpu.memory_space<vmem>>, vector<16xi32>,
      %jit3A_295 = arith.constant 0 : i32
      %broadcast_in_dim3A_296 = vector.broadcast %jit3A_295 : i32 to vector<16xi32>
      %select_n3A_297 = arith.select %eq3A_4, %get3A_294, %broadcast_in_dim3A_296 : vector<16xi1>, vector<16xi32>
      %reduce_sum3A_298 = arith.constant true
      %reduce_sum3A_299 = vector.broadcast %reduce_sum3A_298 : i1 to vector<16xi1>
      %reduce_sum3A_300 = tpu.scan <sum>, %select_n3A_297 masked %reduce_sum3A_299 : vector<16xi32>, vector<16xi1> -> vector<16xi32>
      %reduce_sum3A_301 = vector.extract %reduce_sum3A_300[15] : i32 from vector<16xi32>
      %shift_right_logical3A_302 = arith.constant 7 : i32
      %shift_right_logical3A_303 = arith.shrui %reduce_sum3A_292, %shift_right_logical3A_302 : i32
      %shift_left3A_304 = arith.constant 7 : i32
      %shift_left3A_305 = arith.shli %shift_right_logical3A_303, %shift_left3A_304 : i32
      %multiple_of3A_306 = tpu.assume_multiple %shift_left3A_305, 128 : i32
      %shift_right_logical3A_307 = arith.constant 7 : i32
      %shift_right_logical3A_308 = arith.shrui %reduce_sum3A_301, %shift_right_logical3A_307 : i32
      %shift_left3A_309 = arith.constant 7 : i32
      %shift_left3A_310 = arith.shli %shift_right_logical3A_308, %shift_left3A_309 : i32
      %multiple_of3A_311 = tpu.assume_multiple %shift_left3A_310, 128 : i32
      %dma_start3A_312 = arith.constant 0 : i32
      %dma_start3A_313 = arith.constant 0 : i32
      %dma_start3A_314 = arith.constant 512 : i32
      %dma_start3A_315 = tpu.memref_slice %arg9[%dma_start3A_312, %dma_start3A_313, %dma_start3A_314] : memref<4x8x1024xf32, #tpu.memory_space<vmem>> -> memref<4x8x128xf32, #tpu.memory_space<vmem>>
      %dma_start3A_316 = arith.constant 0 : i32
      %dma_start3A_317 = arith.constant 0 : i32
      %dma_start3A_318 = tpu.memref_slice %arg4[%dma_start3A_316, %dma_start3A_317, %multiple_of3A_306] : memref<4x8x1000000xf32, #tpu.memory_space<hbm>> -> memref<4x8x128xf32, #tpu.memory_space<hbm>>
      %dma_start3A_319 = arith.constant 0 : i32
      %dma_start3A_320 = arith.constant 0 : i32
      %dma_start3A_321 = arith.constant 512 : i32
      %dma_start3A_322 = tpu.memref_slice %arg9[%dma_start3A_319, %dma_start3A_320, %dma_start3A_321] : memref<4x8x1024xf32, #tpu.memory_space<vmem>> -> memref<4x8x128xf32, #tpu.memory_space<vmem>>
      %dma_start3A_323 = arith.constant 0 : i32
      %dma_start3A_324 = arith.constant 0 : i32
      %dma_start3A_325 = tpu.memref_slice %arg4[%dma_start3A_323, %dma_start3A_324, %multiple_of3A_306] : memref<4x8x1000000xf32, #tpu.memory_space<hbm>> -> memref<4x8x128xf32, #tpu.memory_space<hbm>>
      tpu.enqueue_dma source(%dma_start3A_325 : memref<4x8x128xf32, #tpu.memory_space<hbm>>) target(%dma_start3A_322 : memref<4x8x128xf32, #tpu.memory_space<vmem>>) target_semaphore(%arg14 : memref<!tpu.dma_semaphore, #tpu.memory_space<semaphore_mem>>)
      %dma_start3A_326 = arith.constant 0 : i32
      %dma_start3A_327 = arith.constant 0 : i32
      %dma_start3A_328 = arith.constant 512 : i32
      %dma_start3A_329 = tpu.memref_slice %arg10[%dma_start3A_326, %dma_start3A_327, %dma_start3A_328] : memref<4x8x1024xf32, #tpu.memory_space<vmem>> -> memref<4x8x128xf32, #tpu.memory_space<vmem>>
      %dma_start3A_330 = arith.constant 0 : i32
      %dma_start3A_331 = arith.constant 0 : i32
      %dma_start3A_332 = tpu.memref_slice %arg5[%dma_start3A_330, %dma_start3A_331, %multiple_of3A_311] : memref<4x8x1000000xf32, #tpu.memory_space<hbm>> -> memref<4x8x128xf32, #tpu.memory_space<hbm>>
      %dma_start3A_333 = arith.constant 0 : i32
      %dma_start3A_334 = arith.constant 0 : i32
      %dma_start3A_335 = arith.constant 512 : i32
      %dma_start3A_336 = tpu.memref_slice %arg10[%dma_start3A_333, %dma_start3A_334, %dma_start3A_335] : memref<4x8x1024xf32, #tpu.memory_space<vmem>> -> memref<4x8x128xf32, #tpu.memory_space<vmem>>
      %dma_start3A_337 = arith.constant 0 : i32
      %dma_start3A_338 = arith.constant 0 : i32
      %dma_start3A_339 = tpu.memref_slice %arg5[%dma_start3A_337, %dma_start3A_338, %multiple_of3A_311] : memref<4x8x1000000xf32, #tpu.memory_space<hbm>> -> memref<4x8x128xf32, #tpu.memory_space<hbm>>
      tpu.enqueue_dma source(%dma_start3A_339 : memref<4x8x128xf32, #tpu.memory_space<hbm>>) target(%dma_start3A_336 : memref<4x8x128xf32, #tpu.memory_space<vmem>>) target_semaphore(%arg15 : memref<!tpu.dma_semaphore, #tpu.memory_space<semaphore_mem>>)
      %mul3A_340 = arith.constant 4 : i32
      %mul3A_341 = arith.muli %add3A_279, %mul3A_340 : i32
      %add3A_342 = arith.constant 1 : i32
      %add3A_343 = arith.addi %mul3A_341, %add3A_342 : i32
      %get3A_344 = arith.index_cast %add3A_343 : i32 to index
      %get3A_345 = tpu.vector_load %arg7[%get3A_344] {strides = array<i32>} : memref<528xi32, #tpu.memory_space<vmem>>, vector<16xi32>,
      %jit3A_346 = arith.constant 0 : i32
      %broadcast_in_dim3A_347 = vector.broadcast %jit3A_346 : i32 to vector<16xi32>
      %select_n3A_348 = arith.select %eq3A_4, %get3A_345, %broadcast_in_dim3A_347 : vector<16xi1>, vector<16xi32>
      %reduce_sum3A_349 = arith.constant true
      %reduce_sum3A_350 = vector.broadcast %reduce_sum3A_349 : i1 to vector<16xi1>
      %reduce_sum3A_351 = tpu.scan <sum>, %select_n3A_348 masked %reduce_sum3A_350 : vector<16xi32>, vector<16xi1> -> vector<16xi32>
      %reduce_sum3A_352 = vector.extract %reduce_sum3A_351[15] : i32 from vector<16xi32>
      %get3A_353 = arith.index_cast %add3A_343 : i32 to index
      %get3A_354 = tpu.vector_load %arg8[%get3A_353] {strides = array<i32>} : memref<528xi32, #tpu.memory_space<vmem>>, vector<16xi32>,
      %jit3A_355 = arith.constant 0 : i32
      %broadcast_in_dim3A_356 = vector.broadcast %jit3A_355 : i32 to vector<16xi32>
      %select_n3A_357 = arith.select %eq3A_4, %get3A_354, %broadcast_in_dim3A_356 : vector<16xi1>, vector<16xi32>
      %reduce_sum3A_358 = arith.constant true
      %reduce_sum3A_359 = vector.broadcast %reduce_sum3A_358 : i1 to vector<16xi1>
      %reduce_sum3A_360 = tpu.scan <sum>, %select_n3A_357 masked %reduce_sum3A_359 : vector<16xi32>, vector<16xi1> -> vector<16xi32>
      %reduce_sum3A_361 = vector.extract %reduce_sum3A_360[15] : i32 from vector<16xi32>
      %shift_right_logical3A_362 = arith.constant 7 : i32
      %shift_right_logical3A_363 = arith.shrui %reduce_sum3A_352, %shift_right_logical3A_362 : i32
      %shift_left3A_364 = arith.constant 7 : i32
      %shift_left3A_365 = arith.shli %shift_right_logical3A_363, %shift_left3A_364 : i32
      %multiple_of3A_366 = tpu.assume_multiple %shift_left3A_365, 128 : i32
      %shift_right_logical3A_367 = arith.constant 7 : i32
      %shift_right_logical3A_368 = arith.shrui %reduce_sum3A_361, %shift_right_logical3A_367 : i32
      %shift_left3A_369 = arith.constant 7 : i32
      %shift_left3A_370 = arith.shli %shift_right_logical3A_368, %shift_left3A_369 : i32
      %multiple_of3A_371 = tpu.assume_multiple %shift_left3A_370, 128 : i32
      %dma_start3A_372 = arith.constant 0 : i32
      %dma_start3A_373 = arith.constant 0 : i32
      %dma_start3A_374 = arith.constant 640 : i32
      %dma_start3A_375 = tpu.memref_slice %arg9[%dma_start3A_372, %dma_start3A_373, %dma_start3A_374] : memref<4x8x1024xf32, #tpu.memory_space<vmem>> -> memref<4x8x128xf32, #tpu.memory_space<vmem>>
      %dma_start3A_376 = arith.constant 0 : i32
      %dma_start3A_377 = arith.constant 0 : i32
      %dma_start3A_378 = tpu.memref_slice %arg4[%dma_start3A_376, %dma_start3A_377, %multiple_of3A_366] : memref<4x8x1000000xf32, #tpu.memory_space<hbm>> -> memref<4x8x128xf32, #tpu.memory_space<hbm>>
      %dma_start3A_379 = arith.constant 0 : i32
      %dma_start3A_380 = arith.constant 0 : i32
      %dma_start3A_381 = arith.constant 640 : i32
      %dma_start3A_382 = tpu.memref_slice %arg9[%dma_start3A_379, %dma_start3A_380, %dma_start3A_381] : memref<4x8x1024xf32, #tpu.memory_space<vmem>> -> memref<4x8x128xf32, #tpu.memory_space<vmem>>
      %dma_start3A_383 = arith.constant 0 : i32
      %dma_start3A_384 = arith.constant 0 : i32
      %dma_start3A_385 = tpu.memref_slice %arg4[%dma_start3A_383, %dma_start3A_384, %multiple_of3A_366] : memref<4x8x1000000xf32, #tpu.memory_space<hbm>> -> memref<4x8x128xf32, #tpu.memory_space<hbm>>
      tpu.enqueue_dma source(%dma_start3A_385 : memref<4x8x128xf32, #tpu.memory_space<hbm>>) target(%dma_start3A_382 : memref<4x8x128xf32, #tpu.memory_space<vmem>>) target_semaphore(%arg14 : memref<!tpu.dma_semaphore, #tpu.memory_space<semaphore_mem>>)
      %dma_start3A_386 = arith.constant 0 : i32
      %dma_start3A_387 = arith.constant 0 : i32
      %dma_start3A_388 = arith.constant 640 : i32
      %dma_start3A_389 = tpu.memref_slice %arg10[%dma_start3A_386, %dma_start3A_387, %dma_start3A_388] : memref<4x8x1024xf32, #tpu.memory_space<vmem>> -> memref<4x8x128xf32, #tpu.memory_space<vmem>>
      %dma_start3A_390 = arith.constant 0 : i32
      %dma_start3A_391 = arith.constant 0 : i32
      %dma_start3A_392 = tpu.memref_slice %arg5[%dma_start3A_390, %dma_start3A_391, %multiple_of3A_371] : memref<4x8x1000000xf32, #tpu.memory_space<hbm>> -> memref<4x8x128xf32, #tpu.memory_space<hbm>>
      %dma_start3A_393 = arith.constant 0 : i32
      %dma_start3A_394 = arith.constant 0 : i32
      %dma_start3A_395 = arith.constant 640 : i32
      %dma_start3A_396 = tpu.memref_slice %arg10[%dma_start3A_393, %dma_start3A_394, %dma_start3A_395] : memref<4x8x1024xf32, #tpu.memory_space<vmem>> -> memref<4x8x128xf32, #tpu.memory_space<vmem>>
      %dma_start3A_397 = arith.constant 0 : i32
      %dma_start3A_398 = arith.constant 0 : i32
      %dma_start3A_399 = tpu.memref_slice %arg5[%dma_start3A_397, %dma_start3A_398, %multiple_of3A_371] : memref<4x8x1000000xf32, #tpu.memory_space<hbm>> -> memref<4x8x128xf32, #tpu.memory_space<hbm>>
      tpu.enqueue_dma source(%dma_start3A_399 : memref<4x8x128xf32, #tpu.memory_space<hbm>>) target(%dma_start3A_396 : memref<4x8x128xf32, #tpu.memory_space<vmem>>) target_semaphore(%arg15 : memref<!tpu.dma_semaphore, #tpu.memory_space<semaphore_mem>>)
      %mul3A_400 = arith.constant 4 : i32
      %mul3A_401 = arith.muli %add3A_279, %mul3A_400 : i32
      %add3A_402 = arith.constant 2 : i32
      %add3A_403 = arith.addi %mul3A_401, %add3A_402 : i32
      %get3A_404 = arith.index_cast %add3A_403 : i32 to index
      %get3A_405 = tpu.vector_load %arg7[%get3A_404] {strides = array<i32>} : memref<528xi32, #tpu.memory_space<vmem>>, vector<16xi32>,
      %jit3A_406 = arith.constant 0 : i32
      %broadcast_in_dim3A_407 = vector.broadcast %jit3A_406 : i32 to vector<16xi32>
      %select_n3A_408 = arith.select %eq3A_4, %get3A_405, %broadcast_in_dim3A_407 : vector<16xi1>, vector<16xi32>
      %reduce_sum3A_409 = arith.constant true
      %reduce_sum3A_410 = vector.broadcast %reduce_sum3A_409 : i1 to vector<16xi1>
      %reduce_sum3A_411 = tpu.scan <sum>, %select_n3A_408 masked %reduce_sum3A_410 : vector<16xi32>, vector<16xi1> -> vector<16xi32>
      %reduce_sum3A_412 = vector.extract %reduce_sum3A_411[15] : i32 from vector<16xi32>
      %get3A_413 = arith.index_cast %add3A_403 : i32 to index
      %get3A_414 = tpu.vector_load %arg8[%get3A_413] {strides = array<i32>} : memref<528xi32, #tpu.memory_space<vmem>>, vector<16xi32>,
      %jit3A_415 = arith.constant 0 : i32
      %broadcast_in_dim3A_416 = vector.broadcast %jit3A_415 : i32 to vector<16xi32>
      %select_n3A_417 = arith.select %eq3A_4, %get3A_414, %broadcast_in_dim3A_416 : vector<16xi1>, vector<16xi32>
      %reduce_sum3A_418 = arith.constant true
      %reduce_sum3A_419 = vector.broadcast %reduce_sum3A_418 : i1 to vector<16xi1>
      %reduce_sum3A_420 = tpu.scan <sum>, %select_n3A_417 masked %reduce_sum3A_419 : vector<16xi32>, vector<16xi1> -> vector<16xi32>
      %reduce_sum3A_421 = vector.extract %reduce_sum3A_420[15] : i32 from vector<16xi32>
      %shift_right_logical3A_422 = arith.constant 7 : i32
      %shift_right_logical3A_423 = arith.shrui %reduce_sum3A_412, %shift_right_logical3A_422 : i32
      %shift_left3A_424 = arith.constant 7 : i32
      %shift_left3A_425 = arith.shli %shift_right_logical3A_423, %shift_left3A_424 : i32
      %multiple_of3A_426 = tpu.assume_multiple %shift_left3A_425, 128 : i32
      %shift_right_logical3A_427 = arith.constant 7 : i32
      %shift_right_logical3A_428 = arith.shrui %reduce_sum3A_421, %shift_right_logical3A_427 : i32
      %shift_left3A_429 = arith.constant 7 : i32
      %shift_left3A_430 = arith.shli %shift_right_logical3A_428, %shift_left3A_429 : i32
      %multiple_of3A_431 = tpu.assume_multiple %shift_left3A_430, 128 : i32
      %dma_start3A_432 = arith.constant 0 : i32
      %dma_start3A_433 = arith.constant 0 : i32
      %dma_start3A_434 = arith.constant 768 : i32
      %dma_start3A_435 = tpu.memref_slice %arg9[%dma_start3A_432, %dma_start3A_433, %dma_start3A_434] : memref<4x8x1024xf32, #tpu.memory_space<vmem>> -> memref<4x8x128xf32, #tpu.memory_space<vmem>>
      %dma_start3A_436 = arith.constant 0 : i32
      %dma_start3A_437 = arith.constant 0 : i32
      %dma_start3A_438 = tpu.memref_slice %arg4[%dma_start3A_436, %dma_start3A_437, %multiple_of3A_426] : memref<4x8x1000000xf32, #tpu.memory_space<hbm>> -> memref<4x8x128xf32, #tpu.memory_space<hbm>>
      %dma_start3A_439 = arith.constant 0 : i32
      %dma_start3A_440 = arith.constant 0 : i32
      %dma_start3A_441 = arith.constant 768 : i32
      %dma_start3A_442 = tpu.memref_slice %arg9[%dma_start3A_439, %dma_start3A_440, %dma_start3A_441] : memref<4x8x1024xf32, #tpu.memory_space<vmem>> -> memref<4x8x128xf32, #tpu.memory_space<vmem>>
      %dma_start3A_443 = arith.constant 0 : i32
      %dma_start3A_444 = arith.constant 0 : i32
      %dma_start3A_445 = tpu.memref_slice %arg4[%dma_start3A_443, %dma_start3A_444, %multiple_of3A_426] : memref<4x8x1000000xf32, #tpu.memory_space<hbm>> -> memref<4x8x128xf32, #tpu.memory_space<hbm>>
      tpu.enqueue_dma source(%dma_start3A_445 : memref<4x8x128xf32, #tpu.memory_space<hbm>>) target(%dma_start3A_442 : memref<4x8x128xf32, #tpu.memory_space<vmem>>) target_semaphore(%arg14 : memref<!tpu.dma_semaphore, #tpu.memory_space<semaphore_mem>>)
      %dma_start3A_446 = arith.constant 0 : i32
      %dma_start3A_447 = arith.constant 0 : i32
      %dma_start3A_448 = arith.constant 768 : i32
      %dma_start3A_449 = tpu.memref_slice %arg10[%dma_start3A_446, %dma_start3A_447, %dma_start3A_448] : memref<4x8x1024xf32, #tpu.memory_space<vmem>> -> memref<4x8x128xf32, #tpu.memory_space<vmem>>
      %dma_start3A_450 = arith.constant 0 : i32
      %dma_start3A_451 = arith.constant 0 : i32
      %dma_start3A_452 = tpu.memref_slice %arg5[%dma_start3A_450, %dma_start3A_451, %multiple_of3A_431] : memref<4x8x1000000xf32, #tpu.memory_space<hbm>> -> memref<4x8x128xf32, #tpu.memory_space<hbm>>
      %dma_start3A_453 = arith.constant 0 : i32
      %dma_start3A_454 = arith.constant 0 : i32
      %dma_start3A_455 = arith.constant 768 : i32
      %dma_start3A_456 = tpu.memref_slice %arg10[%dma_start3A_453, %dma_start3A_454, %dma_start3A_455] : memref<4x8x1024xf32, #tpu.memory_space<vmem>> -> memref<4x8x128xf32, #tpu.memory_space<vmem>>
      %dma_start3A_457 = arith.constant 0 : i32
      %dma_start3A_458 = arith.constant 0 : i32
      %dma_start3A_459 = tpu.memref_slice %arg5[%dma_start3A_457, %dma_start3A_458, %multiple_of3A_431] : memref<4x8x1000000xf32, #tpu.memory_space<hbm>> -> memref<4x8x128xf32, #tpu.memory_space<hbm>>
      tpu.enqueue_dma source(%dma_start3A_459 : memref<4x8x128xf32, #tpu.memory_space<hbm>>) target(%dma_start3A_456 : memref<4x8x128xf32, #tpu.memory_space<vmem>>) target_semaphore(%arg15 : memref<!tpu.dma_semaphore, #tpu.memory_space<semaphore_mem>>)
      %mul3A_460 = arith.constant 4 : i32
      %mul3A_461 = arith.muli %add3A_279, %mul3A_460 : i32
      %add3A_462 = arith.constant 3 : i32
      %add3A_463 = arith.addi %mul3A_461, %add3A_462 : i32
      %get3A_464 = arith.index_cast %add3A_463 : i32 to index
      %get3A_465 = tpu.vector_load %arg7[%get3A_464] {strides = array<i32>} : memref<528xi32, #tpu.memory_space<vmem>>, vector<16xi32>,
      %jit3A_466 = arith.constant 0 : i32
      %broadcast_in_dim3A_467 = vector.broadcast %jit3A_466 : i32 to vector<16xi32>
      %select_n3A_468 = arith.select %eq3A_4, %get3A_465, %broadcast_in_dim3A_467 : vector<16xi1>, vector<16xi32>
      %reduce_sum3A_469 = arith.constant true
      %reduce_sum3A_470 = vector.broadcast %reduce_sum3A_469 : i1 to vector<16xi1>
      %reduce_sum3A_471 = tpu.scan <sum>, %select_n3A_468 masked %reduce_sum3A_470 : vector<16xi32>, vector<16xi1> -> vector<16xi32>
      %reduce_sum3A_472 = vector.extract %reduce_sum3A_471[15] : i32 from vector<16xi32>
      %get3A_473 = arith.index_cast %add3A_463 : i32 to index
      %get3A_474 = tpu.vector_load %arg8[%get3A_473] {strides = array<i32>} : memref<528xi32, #tpu.memory_space<vmem>>, vector<16xi32>,
      %jit3A_475 = arith.constant 0 : i32
      %broadcast_in_dim3A_476 = vector.broadcast %jit3A_475 : i32 to vector<16xi32>
      %select_n3A_477 = arith.select %eq3A_4, %get3A_474, %broadcast_in_dim3A_476 : vector<16xi1>, vector<16xi32>
      %reduce_sum3A_478 = arith.constant true
      %reduce_sum3A_479 = vector.broadcast %reduce_sum3A_478 : i1 to vector<16xi1>
      %reduce_sum3A_480 = tpu.scan <sum>, %select_n3A_477 masked %reduce_sum3A_479 : vector<16xi32>, vector<16xi1> -> vector<16xi32>
      %reduce_sum3A_481 = vector.extract %reduce_sum3A_480[15] : i32 from vector<16xi32>
      %shift_right_logical3A_482 = arith.constant 7 : i32
      %shift_right_logical3A_483 = arith.shrui %reduce_sum3A_472, %shift_right_logical3A_482 : i32
      %shift_left3A_484 = arith.constant 7 : i32
      %shift_left3A_485 = arith.shli %shift_right_logical3A_483, %shift_left3A_484 : i32
      %multiple_of3A_486 = tpu.assume_multiple %shift_left3A_485, 128 : i32
      %shift_right_logical3A_487 = arith.constant 7 : i32
      %shift_right_logical3A_488 = arith.shrui %reduce_sum3A_481, %shift_right_logical3A_487 : i32
      %shift_left3A_489 = arith.constant 7 : i32
      %shift_left3A_490 = arith.shli %shift_right_logical3A_488, %shift_left3A_489 : i32
      %multiple_of3A_491 = tpu.assume_multiple %shift_left3A_490, 128 : i32
      %dma_start3A_492 = arith.constant 0 : i32
      %dma_start3A_493 = arith.constant 0 : i32
      %dma_start3A_494 = arith.constant 896 : i32
      %dma_start3A_495 = tpu.memref_slice %arg9[%dma_start3A_492, %dma_start3A_493, %dma_start3A_494] : memref<4x8x1024xf32, #tpu.memory_space<vmem>> -> memref<4x8x128xf32, #tpu.memory_space<vmem>>
      %dma_start3A_496 = arith.constant 0 : i32
      %dma_start3A_497 = arith.constant 0 : i32
      %dma_start3A_498 = tpu.memref_slice %arg4[%dma_start3A_496, %dma_start3A_497, %multiple_of3A_486] : memref<4x8x1000000xf32, #tpu.memory_space<hbm>> -> memref<4x8x128xf32, #tpu.memory_space<hbm>>
      %dma_start3A_499 = arith.constant 0 : i32
      %dma_start3A_500 = arith.constant 0 : i32
      %dma_start3A_501 = arith.constant 896 : i32
      %dma_start3A_502 = tpu.memref_slice %arg9[%dma_start3A_499, %dma_start3A_500, %dma_start3A_501] : memref<4x8x1024xf32, #tpu.memory_space<vmem>> -> memref<4x8x128xf32, #tpu.memory_space<vmem>>
      %dma_start3A_503 = arith.constant 0 : i32
      %dma_start3A_504 = arith.constant 0 : i32
      %dma_start3A_505 = tpu.memref_slice %arg4[%dma_start3A_503, %dma_start3A_504, %multiple_of3A_486] : memref<4x8x1000000xf32, #tpu.memory_space<hbm>> -> memref<4x8x128xf32, #tpu.memory_space<hbm>>
      tpu.enqueue_dma source(%dma_start3A_505 : memref<4x8x128xf32, #tpu.memory_space<hbm>>) target(%dma_start3A_502 : memref<4x8x128xf32, #tpu.memory_space<vmem>>) target_semaphore(%arg14 : memref<!tpu.dma_semaphore, #tpu.memory_space<semaphore_mem>>)
      %dma_start3A_506 = arith.constant 0 : i32
      %dma_start3A_507 = arith.constant 0 : i32
      %dma_start3A_508 = arith.constant 896 : i32
      %dma_start3A_509 = tpu.memref_slice %arg10[%dma_start3A_506, %dma_start3A_507, %dma_start3A_508] : memref<4x8x1024xf32, #tpu.memory_space<vmem>> -> memref<4x8x128xf32, #tpu.memory_space<vmem>>
      %dma_start3A_510 = arith.constant 0 : i32
      %dma_start3A_511 = arith.constant 0 : i32
      %dma_start3A_512 = tpu.memref_slice %arg5[%dma_start3A_510, %dma_start3A_511, %multiple_of3A_491] : memref<4x8x1000000xf32, #tpu.memory_space<hbm>> -> memref<4x8x128xf32, #tpu.memory_space<hbm>>
      %dma_start3A_513 = arith.constant 0 : i32
      %dma_start3A_514 = arith.constant 0 : i32
      %dma_start3A_515 = arith.constant 896 : i32
      %dma_start3A_516 = tpu.memref_slice %arg10[%dma_start3A_513, %dma_start3A_514, %dma_start3A_515] : memref<4x8x1024xf32, #tpu.memory_space<vmem>> -> memref<4x8x128xf32, #tpu.memory_space<vmem>>
      %dma_start3A_517 = arith.constant 0 : i32
      %dma_start3A_518 = arith.constant 0 : i32
      %dma_start3A_519 = tpu.memref_slice %arg5[%dma_start3A_517, %dma_start3A_518, %multiple_of3A_491] : memref<4x8x1000000xf32, #tpu.memory_space<hbm>> -> memref<4x8x128xf32, #tpu.memory_space<hbm>>
      tpu.enqueue_dma source(%dma_start3A_519 : memref<4x8x128xf32, #tpu.memory_space<hbm>>) target(%dma_start3A_516 : memref<4x8x128xf32, #tpu.memory_space<vmem>>) target_semaphore(%arg15 : memref<!tpu.dma_semaphore, #tpu.memory_space<semaphore_mem>>)
      %dma_wait3A = arith.constant 0 : i32
      %dma_wait3A_520 = arith.constant 0 : i32
      %dma_wait3A_521 = arith.constant 0 : i32
      %dma_wait3A_522 = tpu.memref_slice %arg9[%dma_wait3A, %dma_wait3A_520, %dma_wait3A_521] : memref<4x8x1024xf32, #tpu.memory_space<vmem>> -> memref<4x8x512xf32, #tpu.memory_space<vmem>>
      %dma_wait3A_523 = arith.constant 0 : i32
      %dma_wait3A_524 = arith.constant 0 : i32
      %dma_wait3A_525 = arith.constant 0 : i32
      %dma_wait3A_526 = tpu.memref_slice %arg4[%dma_wait3A_523, %dma_wait3A_524, %dma_wait3A_525] : memref<4x8x1000000xf32, #tpu.memory_space<hbm>> -> memref<4x8x512xf32, #tpu.memory_space<hbm>>
      %dma_wait3A_527 = arith.constant 0 : i32
      %dma_wait3A_528 = arith.constant 0 : i32
      %dma_wait3A_529 = arith.constant 0 : i32
      %dma_wait3A_530 = tpu.memref_slice %arg9[%dma_wait3A_527, %dma_wait3A_528, %dma_wait3A_529] : memref<4x8x1024xf32, #tpu.memory_space<vmem>> -> memref<4x8x512xf32, #tpu.memory_space<vmem>>
      %dma_wait3A_531 = arith.constant 0 : i32
      %dma_wait3A_532 = arith.constant 0 : i32
      %dma_wait3A_533 = arith.constant 0 : i32
      %dma_wait3A_534 = tpu.memref_slice %arg4[%dma_wait3A_531, %dma_wait3A_532, %dma_wait3A_533] : memref<4x8x1000000xf32, #tpu.memory_space<hbm>> -> memref<4x8x512xf32, #tpu.memory_space<hbm>>
      tpu.wait_dma2 semaphore(%arg12 : memref<!tpu.dma_semaphore, #tpu.memory_space<semaphore_mem>>) src(%dma_wait3A_534 : memref<4x8x512xf32, #tpu.memory_space<hbm>>) dst(%dma_wait3A_530 : memref<4x8x512xf32, #tpu.memory_space<vmem>>)
      %dma_wait3A_535 = arith.constant 0 : i32
      %dma_wait3A_536 = arith.constant 0 : i32
      %dma_wait3A_537 = arith.constant 0 : i32
      %dma_wait3A_538 = tpu.memref_slice %arg10[%dma_wait3A_535, %dma_wait3A_536, %dma_wait3A_537] : memref<4x8x1024xf32, #tpu.memory_space<vmem>> -> memref<4x8x512xf32, #tpu.memory_space<vmem>>
      %dma_wait3A_539 = arith.constant 0 : i32
      %dma_wait3A_540 = arith.constant 0 : i32
      %dma_wait3A_541 = arith.constant 0 : i32
      %dma_wait3A_542 = tpu.memref_slice %arg5[%dma_wait3A_539, %dma_wait3A_540, %dma_wait3A_541] : memref<4x8x1000000xf32, #tpu.memory_space<hbm>> -> memref<4x8x512xf32, #tpu.memory_space<hbm>>
      %dma_wait3A_543 = arith.constant 0 : i32
      %dma_wait3A_544 = arith.constant 0 : i32
      %dma_wait3A_545 = arith.constant 0 : i32
      %dma_wait3A_546 = tpu.memref_slice %arg10[%dma_wait3A_543, %dma_wait3A_544, %dma_wait3A_545] : memref<4x8x1024xf32, #tpu.memory_space<vmem>> -> memref<4x8x512xf32, #tpu.memory_space<vmem>>
      %dma_wait3A_547 = arith.constant 0 : i32
      %dma_wait3A_548 = arith.constant 0 : i32
      %dma_wait3A_549 = arith.constant 0 : i32
      %dma_wait3A_550 = tpu.memref_slice %arg5[%dma_wait3A_547, %dma_wait3A_548, %dma_wait3A_549] : memref<4x8x1000000xf32, #tpu.memory_space<hbm>> -> memref<4x8x512xf32, #tpu.memory_space<hbm>>
      tpu.wait_dma2 semaphore(%arg13 : memref<!tpu.dma_semaphore, #tpu.memory_space<semaphore_mem>>) src(%dma_wait3A_550 : memref<4x8x512xf32, #tpu.memory_space<hbm>>) dst(%dma_wait3A_546 : memref<4x8x512xf32, #tpu.memory_space<vmem>>)
      %mul3A_551 = arith.constant 4 : i32
      %mul3A_552 = arith.muli %mul3A_277, %mul3A_551 : i32
      %add3A_553 = arith.constant 0 : i32
      %add3A_554 = arith.addi %mul3A_552, %add3A_553 : i32
      %get3A_555 = arith.index_cast %add3A_554 : i32 to index
      %get3A_556 = tpu.vector_load %arg7[%get3A_555] {strides = array<i32>} : memref<528xi32, #tpu.memory_space<vmem>>, vector<16xi32>,
      %jit3A_557 = arith.constant 0 : i32
      %broadcast_in_dim3A_558 = vector.broadcast %jit3A_557 : i32 to vector<16xi32>
      %select_n3A_559 = arith.select %eq3A_4, %get3A_556, %broadcast_in_dim3A_558 : vector<16xi1>, vector<16xi32>
      %get3A_560 = arith.index_cast %add3A_554 : i32 to index
      %get3A_561 = tpu.vector_load %arg8[%get3A_560] {strides = array<i32>} : memref<528xi32, #tpu.memory_space<vmem>>, vector<16xi32>,
      %jit3A_562 = arith.constant 0 : i32
      %broadcast_in_dim3A_563 = vector.broadcast %jit3A_562 : i32 to vector<16xi32>
      %select_n3A_564 = arith.select %eq3A_4, %get3A_561, %broadcast_in_dim3A_563 : vector<16xi1>, vector<16xi32>
      %and3A_565 = arith.constant 127 : i32
      %and3A_566 = vector.broadcast %and3A_565 : i32 to vector<16xi32>
      %and3A_567 = arith.andi %select_n3A_559, %and3A_566 : vector<16xi32>
      %reduce_sum3A_568 = arith.constant true
      %reduce_sum3A_569 = vector.broadcast %reduce_sum3A_568 : i1 to vector<16xi1>
      %reduce_sum3A_570 = tpu.scan <sum>, %and3A_567 masked %reduce_sum3A_569 : vector<16xi32>, vector<16xi1> -> vector<16xi32>
      %reduce_sum3A_571 = vector.extract %reduce_sum3A_570[15] : i32 from vector<16xi32>
      %and3A_572 = arith.constant 127 : i32
      %and3A_573 = vector.broadcast %and3A_572 : i32 to vector<16xi32>
      %and3A_574 = arith.andi %select_n3A_564, %and3A_573 : vector<16xi32>
      %reduce_sum3A_575 = arith.constant true
      %reduce_sum3A_576 = vector.broadcast %reduce_sum3A_575 : i1 to vector<16xi1>
      %reduce_sum3A_577 = tpu.scan <sum>, %and3A_574 masked %reduce_sum3A_576 : vector<16xi32>, vector<16xi1> -> vector<16xi32>
      %reduce_sum3A_578 = vector.extract %reduce_sum3A_577[15] : i32 from vector<16xi32>
      %add3A_579 = arith.constant 0 : i32
      %add3A_580 = vector.broadcast %add3A_579 : i32 to vector<16xi32>
      %add3A_581 = arith.addi %select_n3A, %add3A_580 : vector<16xi32>
      %broadcast_in_dim3A_582 = arith.constant 0 : i32
      %broadcast_in_dim3A_583 = vector.broadcast %broadcast_in_dim3A_582 : i32 to vector<16xi32>
      %add3A_584 = vector.broadcast %reduce_sum3A_571 : i32 to vector<16xi32>
      %add3A_585 = arith.addi %broadcast_in_dim3A_583, %add3A_584 : vector<16xi32>
      %broadcast_in_dim3A_586 = arith.constant 0 : i32
      %broadcast_in_dim3A_587 = vector.broadcast %broadcast_in_dim3A_586 : i32 to vector<16xi32>
      %add3A_588 = vector.broadcast %reduce_sum3A_578 : i32 to vector<16xi32>
      %add3A_589 = arith.addi %broadcast_in_dim3A_587, %add3A_588 : vector<16xi32>
      %gather3A = tpu.vector_load_idx %arg9[%add3A_581, %select_n3A_49, %add3A_585] : memref<4x8x1024xf32, #tpu.memory_space<vmem>>[vector<16xi32>, vector<16xi32>, vector<16xi32>], vector<16xf32>,
      %gather3A_590 = tpu.vector_load_idx %arg10[%add3A_581, %select_n3A_49, %add3A_589] : memref<4x8x1024xf32, #tpu.memory_space<vmem>>[vector<16xi32>, vector<16xi32>, vector<16xi32>], vector<16xf32>,
      %mul3A_591 = arith.mulf %gather3A, %gather3A_590 : vector<16xf32>
      %add3A_592 = arith.addf %broadcast_in_dim3A_50, %mul3A_591 : vector<16xf32>
      %add3A_593 = arith.constant 2 : i32
      %add3A_594 = vector.broadcast %add3A_593 : i32 to vector<16xi32>
      %add3A_595 = arith.addi %select_n3A, %add3A_594 : vector<16xi32>
      %broadcast_in_dim3A_596 = arith.constant 0 : i32
      %broadcast_in_dim3A_597 = vector.broadcast %broadcast_in_dim3A_596 : i32 to vector<16xi32>
      %add3A_598 = vector.broadcast %reduce_sum3A_571 : i32 to vector<16xi32>
      %add3A_599 = arith.addi %broadcast_in_dim3A_597, %add3A_598 : vector<16xi32>
      %broadcast_in_dim3A_600 = arith.constant 0 : i32
      %broadcast_in_dim3A_601 = vector.broadcast %broadcast_in_dim3A_600 : i32 to vector<16xi32>
      %add3A_602 = vector.broadcast %reduce_sum3A_578 : i32 to vector<16xi32>
      %add3A_603 = arith.addi %broadcast_in_dim3A_601, %add3A_602 : vector<16xi32>
      %gather3A_604 = tpu.vector_load_idx %arg9[%add3A_595, %select_n3A_49, %add3A_599] : memref<4x8x1024xf32, #tpu.memory_space<vmem>>[vector<16xi32>, vector<16xi32>, vector<16xi32>], vector<16xf32>,
      %gather3A_605 = tpu.vector_load_idx %arg10[%add3A_595, %select_n3A_49, %add3A_603] : memref<4x8x1024xf32, #tpu.memory_space<vmem>>[vector<16xi32>, vector<16xi32>, vector<16xi32>], vector<16xf32>,
      %mul3A_606 = arith.mulf %gather3A_604, %gather3A_605 : vector<16xf32>
      %add3A_607 = arith.addf %add3A_592, %mul3A_606 : vector<16xf32>
      %reduce_sum3A_608 = arith.constant true
      %reduce_sum3A_609 = vector.broadcast %reduce_sum3A_608 : i1 to vector<16xi1>
      %reduce_sum3A_610 = tpu.scan <sum>, %add3A_607 masked %reduce_sum3A_609 : vector<16xf32>, vector<16xi1> -> vector<16xf32>
      %reduce_sum3A_611 = vector.extract %reduce_sum3A_610[15] : f32 from vector<16xf32>
      %jit3A_612 = arith.constant 4 : i32
      %eq3A_613 = arith.constant 0 : i32
      %eq3A_614 = arith.cmpi eq, %jit3A_612, %eq3A_613 : i32
      %jit3A_615 = arith.constant 1 : i32
      %select_n3A_616 = arith.select %eq3A_614, %jit3A_615, %jit3A_612 : i32
      %rem3A_617 = arith.remsi %mul3A_277, %select_n3A_616 : i32
      %ne3A_618 = arith.constant 0 : i32
      %ne3A_619 = arith.cmpi ne, %rem3A_617, %ne3A_618 : i32
      %lt3A_620 = arith.constant 0 : i32
      %lt3A_621 = arith.cmpi slt, %rem3A_617, %lt3A_620 : i32
      %lt3A_622 = arith.constant 0 : i32
      %lt3A_623 = arith.cmpi slt, %select_n3A_616, %lt3A_622 : i32
      %ne3A_624 = arith.xori %lt3A_621, %lt3A_623 : i1
      %and3A_625 = arith.andi %ne3A_624, %ne3A_619 : i1
      %add3A_626 = arith.addi %rem3A_617, %select_n3A_616 : i32
      %select_n3A_627 = arith.select %and3A_625, %add3A_626, %rem3A_617 : i32
      %mul3A_628 = arith.constant 4 : i32
      %mul3A_629 = arith.muli %select_n3A_627, %mul3A_628 : i32
      %add3A_630 = arith.constant 0 : i32
      %add3A_631 = arith.addi %mul3A_629, %add3A_630 : i32
      %eq3A_632 = vector.broadcast %add3A_631 : i32 to vector<16xi32>
      %eq3A_633 = arith.cmpi eq, %iota3A_5, %eq3A_632 : vector<16xi32>
      %broadcast_in_dim3A_634 = vector.broadcast %reduce_sum3A_611 : f32 to vector<16xf32>
      %select_n3A_635 = arith.select %eq3A_633, %broadcast_in_dim3A_634, %scan3A_275 : vector<16xi1>, vector<16xf32>
      %mul3A_636 = arith.constant 4 : i32
      %mul3A_637 = arith.muli %mul3A_277, %mul3A_636 : i32
      %add3A_638 = arith.constant 1 : i32
      %add3A_639 = arith.addi %mul3A_637, %add3A_638 : i32
      %get3A_640 = arith.index_cast %add3A_639 : i32 to index
      %get3A_641 = tpu.vector_load %arg7[%get3A_640] {strides = array<i32>} : memref<528xi32, #tpu.memory_space<vmem>>, vector<16xi32>,
      %jit3A_642 = arith.constant 0 : i32
      %broadcast_in_dim3A_643 = vector.broadcast %jit3A_642 : i32 to vector<16xi32>
      %select_n3A_644 = arith.select %eq3A_4, %get3A_641, %broadcast_in_dim3A_643 : vector<16xi1>, vector<16xi32>
      %get3A_645 = arith.index_cast %add3A_639 : i32 to index
      %get3A_646 = tpu.vector_load %arg8[%get3A_645] {strides = array<i32>} : memref<528xi32, #tpu.memory_space<vmem>>, vector<16xi32>,
      %jit3A_647 = arith.constant 0 : i32
      %broadcast_in_dim3A_648 = vector.broadcast %jit3A_647 : i32 to vector<16xi32>
      %select_n3A_649 = arith.select %eq3A_4, %get3A_646, %broadcast_in_dim3A_648 : vector<16xi1>, vector<16xi32>
      %and3A_650 = arith.constant 127 : i32
      %and3A_651 = vector.broadcast %and3A_650 : i32 to vector<16xi32>
      %and3A_652 = arith.andi %select_n3A_644, %and3A_651 : vector<16xi32>
      %reduce_sum3A_653 = arith.constant true
      %reduce_sum3A_654 = vector.broadcast %reduce_sum3A_653 : i1 to vector<16xi1>
      %reduce_sum3A_655 = tpu.scan <sum>, %and3A_652 masked %reduce_sum3A_654 : vector<16xi32>, vector<16xi1> -> vector<16xi32>
      %reduce_sum3A_656 = vector.extract %reduce_sum3A_655[15] : i32 from vector<16xi32>
      %and3A_657 = arith.constant 127 : i32
      %and3A_658 = vector.broadcast %and3A_657 : i32 to vector<16xi32>
      %and3A_659 = arith.andi %select_n3A_649, %and3A_658 : vector<16xi32>
      %reduce_sum3A_660 = arith.constant true
      %reduce_sum3A_661 = vector.broadcast %reduce_sum3A_660 : i1 to vector<16xi1>
      %reduce_sum3A_662 = tpu.scan <sum>, %and3A_659 masked %reduce_sum3A_661 : vector<16xi32>, vector<16xi1> -> vector<16xi32>
      %reduce_sum3A_663 = vector.extract %reduce_sum3A_662[15] : i32 from vector<16xi32>
      %add3A_664 = arith.constant 0 : i32
      %add3A_665 = vector.broadcast %add3A_664 : i32 to vector<16xi32>
      %add3A_666 = arith.addi %select_n3A, %add3A_665 : vector<16xi32>
      %broadcast_in_dim3A_667 = arith.constant 128 : i32
      %broadcast_in_dim3A_668 = vector.broadcast %broadcast_in_dim3A_667 : i32 to vector<16xi32>
      %add3A_669 = vector.broadcast %reduce_sum3A_656 : i32 to vector<16xi32>
      %add3A_670 = arith.addi %broadcast_in_dim3A_668, %add3A_669 : vector<16xi32>
      %broadcast_in_dim3A_671 = arith.constant 128 : i32
      %broadcast_in_dim3A_672 = vector.broadcast %broadcast_in_dim3A_671 : i32 to vector<16xi32>
      %add3A_673 = vector.broadcast %reduce_sum3A_663 : i32 to vector<16xi32>
      %add3A_674 = arith.addi %broadcast_in_dim3A_672, %add3A_673 : vector<16xi32>
      %gather3A_675 = tpu.vector_load_idx %arg9[%add3A_666, %select_n3A_49, %add3A_670] : memref<4x8x1024xf32, #tpu.memory_space<vmem>>[vector<16xi32>, vector<16xi32>, vector<16xi32>], vector<16xf32>,
      %gather3A_676 = tpu.vector_load_idx %arg10[%add3A_666, %select_n3A_49, %add3A_674] : memref<4x8x1024xf32, #tpu.memory_space<vmem>>[vector<16xi32>, vector<16xi32>, vector<16xi32>], vector<16xf32>,
      %mul3A_677 = arith.mulf %gather3A_675, %gather3A_676 : vector<16xf32>
      %add3A_678 = arith.addf %broadcast_in_dim3A_50, %mul3A_677 : vector<16xf32>
      %add3A_679 = arith.constant 2 : i32
      %add3A_680 = vector.broadcast %add3A_679 : i32 to vector<16xi32>
      %add3A_681 = arith.addi %select_n3A, %add3A_680 : vector<16xi32>
      %broadcast_in_dim3A_682 = arith.constant 128 : i32
      %broadcast_in_dim3A_683 = vector.broadcast %broadcast_in_dim3A_682 : i32 to vector<16xi32>
      %add3A_684 = vector.broadcast %reduce_sum3A_656 : i32 to vector<16xi32>
      %add3A_685 = arith.addi %broadcast_in_dim3A_683, %add3A_684 : vector<16xi32>
      %broadcast_in_dim3A_686 = arith.constant 128 : i32
      %broadcast_in_dim3A_687 = vector.broadcast %broadcast_in_dim3A_686 : i32 to vector<16xi32>
      %add3A_688 = vector.broadcast %reduce_sum3A_663 : i32 to vector<16xi32>
      %add3A_689 = arith.addi %broadcast_in_dim3A_687, %add3A_688 : vector<16xi32>
      %gather3A_690 = tpu.vector_load_idx %arg9[%add3A_681, %select_n3A_49, %add3A_685] : memref<4x8x1024xf32, #tpu.memory_space<vmem>>[vector<16xi32>, vector<16xi32>, vector<16xi32>], vector<16xf32>,
      %gather3A_691 = tpu.vector_load_idx %arg10[%add3A_681, %select_n3A_49, %add3A_689] : memref<4x8x1024xf32, #tpu.memory_space<vmem>>[vector<16xi32>, vector<16xi32>, vector<16xi32>], vector<16xf32>,
      %mul3A_692 = arith.mulf %gather3A_690, %gather3A_691 : vector<16xf32>
      %add3A_693 = arith.addf %add3A_678, %mul3A_692 : vector<16xf32>
      %reduce_sum3A_694 = arith.constant true
      %reduce_sum3A_695 = vector.broadcast %reduce_sum3A_694 : i1 to vector<16xi1>
      %reduce_sum3A_696 = tpu.scan <sum>, %add3A_693 masked %reduce_sum3A_695 : vector<16xf32>, vector<16xi1> -> vector<16xf32>
      %reduce_sum3A_697 = vector.extract %reduce_sum3A_696[15] : f32 from vector<16xf32>
      %jit3A_698 = arith.constant 4 : i32
      %eq3A_699 = arith.constant 0 : i32
      %eq3A_700 = arith.cmpi eq, %jit3A_698, %eq3A_699 : i32
      %jit3A_701 = arith.constant 1 : i32
      %select_n3A_702 = arith.select %eq3A_700, %jit3A_701, %jit3A_698 : i32
      %rem3A_703 = arith.remsi %mul3A_277, %select_n3A_702 : i32
      %ne3A_704 = arith.constant 0 : i32
      %ne3A_705 = arith.cmpi ne, %rem3A_703, %ne3A_704 : i32
      %lt3A_706 = arith.constant 0 : i32
      %lt3A_707 = arith.cmpi slt, %rem3A_703, %lt3A_706 : i32
      %lt3A_708 = arith.constant 0 : i32
      %lt3A_709 = arith.cmpi slt, %select_n3A_702, %lt3A_708 : i32
      %ne3A_710 = arith.xori %lt3A_707, %lt3A_709 : i1
      %and3A_711 = arith.andi %ne3A_710, %ne3A_705 : i1
      %add3A_712 = arith.addi %rem3A_703, %select_n3A_702 : i32
      %select_n3A_713 = arith.select %and3A_711, %add3A_712, %rem3A_703 : i32
      %mul3A_714 = arith.constant 4 : i32
      %mul3A_715 = arith.muli %select_n3A_713, %mul3A_714 : i32
      %add3A_716 = arith.constant 1 : i32
      %add3A_717 = arith.addi %mul3A_715, %add3A_716 : i32
      %eq3A_718 = vector.broadcast %add3A_717 : i32 to vector<16xi32>
      %eq3A_719 = arith.cmpi eq, %iota3A_5, %eq3A_718 : vector<16xi32>
      %broadcast_in_dim3A_720 = vector.broadcast %reduce_sum3A_697 : f32 to vector<16xf32>
      %select_n3A_721 = arith.select %eq3A_719, %broadcast_in_dim3A_720, %select_n3A_635 : vector<16xi1>, vector<16xf32>
      %mul3A_722 = arith.constant 4 : i32
      %mul3A_723 = arith.muli %mul3A_277, %mul3A_722 : i32
      %add3A_724 = arith.constant 2 : i32
      %add3A_725 = arith.addi %mul3A_723, %add3A_724 : i32
      %get3A_726 = arith.index_cast %add3A_725 : i32 to index
      %get3A_727 = tpu.vector_load %arg7[%get3A_726] {strides = array<i32>} : memref<528xi32, #tpu.memory_space<vmem>>, vector<16xi32>,
      %jit3A_728 = arith.constant 0 : i32
      %broadcast_in_dim3A_729 = vector.broadcast %jit3A_728 : i32 to vector<16xi32>
      %select_n3A_730 = arith.select %eq3A_4, %get3A_727, %broadcast_in_dim3A_729 : vector<16xi1>, vector<16xi32>
      %get3A_731 = arith.index_cast %add3A_725 : i32 to index
      %get3A_732 = tpu.vector_load %arg8[%get3A_731] {strides = array<i32>} : memref<528xi32, #tpu.memory_space<vmem>>, vector<16xi32>,
      %jit3A_733 = arith.constant 0 : i32
      %broadcast_in_dim3A_734 = vector.broadcast %jit3A_733 : i32 to vector<16xi32>
      %select_n3A_735 = arith.select %eq3A_4, %get3A_732, %broadcast_in_dim3A_734 : vector<16xi1>, vector<16xi32>
      %and3A_736 = arith.constant 127 : i32
      %and3A_737 = vector.broadcast %and3A_736 : i32 to vector<16xi32>
      %and3A_738 = arith.andi %select_n3A_730, %and3A_737 : vector<16xi32>
      %reduce_sum3A_739 = arith.constant true
      %reduce_sum3A_740 = vector.broadcast %reduce_sum3A_739 : i1 to vector<16xi1>
      %reduce_sum3A_741 = tpu.scan <sum>, %and3A_738 masked %reduce_sum3A_740 : vector<16xi32>, vector<16xi1> -> vector<16xi32>
      %reduce_sum3A_742 = vector.extract %reduce_sum3A_741[15] : i32 from vector<16xi32>
      %and3A_743 = arith.constant 127 : i32
      %and3A_744 = vector.broadcast %and3A_743 : i32 to vector<16xi32>
      %and3A_745 = arith.andi %select_n3A_735, %and3A_744 : vector<16xi32>
      %reduce_sum3A_746 = arith.constant true
      %reduce_sum3A_747 = vector.broadcast %reduce_sum3A_746 : i1 to vector<16xi1>
      %reduce_sum3A_748 = tpu.scan <sum>, %and3A_745 masked %reduce_sum3A_747 : vector<16xi32>, vector<16xi1> -> vector<16xi32>
      %reduce_sum3A_749 = vector.extract %reduce_sum3A_748[15] : i32 from vector<16xi32>
      %add3A_750 = arith.constant 0 : i32
      %add3A_751 = vector.broadcast %add3A_750 : i32 to vector<16xi32>
      %add3A_752 = arith.addi %select_n3A, %add3A_751 : vector<16xi32>
      %broadcast_in_dim3A_753 = arith.constant 256 : i32
      %broadcast_in_dim3A_754 = vector.broadcast %broadcast_in_dim3A_753 : i32 to vector<16xi32>
      %add3A_755 = vector.broadcast %reduce_sum3A_742 : i32 to vector<16xi32>
      %add3A_756 = arith.addi %broadcast_in_dim3A_754, %add3A_755 : vector<16xi32>
      %broadcast_in_dim3A_757 = arith.constant 256 : i32
      %broadcast_in_dim3A_758 = vector.broadcast %broadcast_in_dim3A_757 : i32 to vector<16xi32>
      %add3A_759 = vector.broadcast %reduce_sum3A_749 : i32 to vector<16xi32>
      %add3A_760 = arith.addi %broadcast_in_dim3A_758, %add3A_759 : vector<16xi32>
      %gather3A_761 = tpu.vector_load_idx %arg9[%add3A_752, %select_n3A_49, %add3A_756] : memref<4x8x1024xf32, #tpu.memory_space<vmem>>[vector<16xi32>, vector<16xi32>, vector<16xi32>], vector<16xf32>,
      %gather3A_762 = tpu.vector_load_idx %arg10[%add3A_752, %select_n3A_49, %add3A_760] : memref<4x8x1024xf32, #tpu.memory_space<vmem>>[vector<16xi32>, vector<16xi32>, vector<16xi32>], vector<16xf32>,
      %mul3A_763 = arith.mulf %gather3A_761, %gather3A_762 : vector<16xf32>
      %add3A_764 = arith.addf %broadcast_in_dim3A_50, %mul3A_763 : vector<16xf32>
      %add3A_765 = arith.constant 2 : i32
      %add3A_766 = vector.broadcast %add3A_765 : i32 to vector<16xi32>
      %add3A_767 = arith.addi %select_n3A, %add3A_766 : vector<16xi32>
      %broadcast_in_dim3A_768 = arith.constant 256 : i32
      %broadcast_in_dim3A_769 = vector.broadcast %broadcast_in_dim3A_768 : i32 to vector<16xi32>
      %add3A_770 = vector.broadcast %reduce_sum3A_742 : i32 to vector<16xi32>
      %add3A_771 = arith.addi %broadcast_in_dim3A_769, %add3A_770 : vector<16xi32>
      %broadcast_in_dim3A_772 = arith.constant 256 : i32
      %broadcast_in_dim3A_773 = vector.broadcast %broadcast_in_dim3A_772 : i32 to vector<16xi32>
      %add3A_774 = vector.broadcast %reduce_sum3A_749 : i32 to vector<16xi32>
      %add3A_775 = arith.addi %broadcast_in_dim3A_773, %add3A_774 : vector<16xi32>
      %gather3A_776 = tpu.vector_load_idx %arg9[%add3A_767, %select_n3A_49, %add3A_771] : memref<4x8x1024xf32, #tpu.memory_space<vmem>>[vector<16xi32>, vector<16xi32>, vector<16xi32>], vector<16xf32>,
      %gather3A_777 = tpu.vector_load_idx %arg10[%add3A_767, %select_n3A_49, %add3A_775] : memref<4x8x1024xf32, #tpu.memory_space<vmem>>[vector<16xi32>, vector<16xi32>, vector<16xi32>], vector<16xf32>,
      %mul3A_778 = arith.mulf %gather3A_776, %gather3A_777 : vector<16xf32>
      %add3A_779 = arith.addf %add3A_764, %mul3A_778 : vector<16xf32>
      %reduce_sum3A_780 = arith.constant true
      %reduce_sum3A_781 = vector.broadcast %reduce_sum3A_780 : i1 to vector<16xi1>
      %reduce_sum3A_782 = tpu.scan <sum>, %add3A_779 masked %reduce_sum3A_781 : vector<16xf32>, vector<16xi1> -> vector<16xf32>
      %reduce_sum3A_783 = vector.extract %reduce_sum3A_782[15] : f32 from vector<16xf32>
      %jit3A_784 = arith.constant 4 : i32
      %eq3A_785 = arith.constant 0 : i32
      %eq3A_786 = arith.cmpi eq, %jit3A_784, %eq3A_785 : i32
      %jit3A_787 = arith.constant 1 : i32
      %select_n3A_788 = arith.select %eq3A_786, %jit3A_787, %jit3A_784 : i32
      %rem3A_789 = arith.remsi %mul3A_277, %select_n3A_788 : i32
      %ne3A_790 = arith.constant 0 : i32
      %ne3A_791 = arith.cmpi ne, %rem3A_789, %ne3A_790 : i32
      %lt3A_792 = arith.constant 0 : i32
      %lt3A_793 = arith.cmpi slt, %rem3A_789, %lt3A_792 : i32
      %lt3A_794 = arith.constant 0 : i32
      %lt3A_795 = arith.cmpi slt, %select_n3A_788, %lt3A_794 : i32
      %ne3A_796 = arith.xori %lt3A_793, %lt3A_795 : i1
      %and3A_797 = arith.andi %ne3A_796, %ne3A_791 : i1
      %add3A_798 = arith.addi %rem3A_789, %select_n3A_788 : i32
      %select_n3A_799 = arith.select %and3A_797, %add3A_798, %rem3A_789 : i32
      %mul3A_800 = arith.constant 4 : i32
      %mul3A_801 = arith.muli %select_n3A_799, %mul3A_800 : i32
      %add3A_802 = arith.constant 2 : i32
      %add3A_803 = arith.addi %mul3A_801, %add3A_802 : i32
      %eq3A_804 = vector.broadcast %add3A_803 : i32 to vector<16xi32>
      %eq3A_805 = arith.cmpi eq, %iota3A_5, %eq3A_804 : vector<16xi32>
      %broadcast_in_dim3A_806 = vector.broadcast %reduce_sum3A_783 : f32 to vector<16xf32>
      %select_n3A_807 = arith.select %eq3A_805, %broadcast_in_dim3A_806, %select_n3A_721 : vector<16xi1>, vector<16xf32>
      %mul3A_808 = arith.constant 4 : i32
      %mul3A_809 = arith.muli %mul3A_277, %mul3A_808 : i32
      %add3A_810 = arith.constant 3 : i32
      %add3A_811 = arith.addi %mul3A_809, %add3A_810 : i32
      %get3A_812 = arith.index_cast %add3A_811 : i32 to index
      %get3A_813 = tpu.vector_load %arg7[%get3A_812] {strides = array<i32>} : memref<528xi32, #tpu.memory_space<vmem>>, vector<16xi32>,
      %jit3A_814 = arith.constant 0 : i32
      %broadcast_in_dim3A_815 = vector.broadcast %jit3A_814 : i32 to vector<16xi32>
      %select_n3A_816 = arith.select %eq3A_4, %get3A_813, %broadcast_in_dim3A_815 : vector<16xi1>, vector<16xi32>
      %get3A_817 = arith.index_cast %add3A_811 : i32 to index
      %get3A_818 = tpu.vector_load %arg8[%get3A_817] {strides = array<i32>} : memref<528xi32, #tpu.memory_space<vmem>>, vector<16xi32>,
      %jit3A_819 = arith.constant 0 : i32
      %broadcast_in_dim3A_820 = vector.broadcast %jit3A_819 : i32 to vector<16xi32>
      %select_n3A_821 = arith.select %eq3A_4, %get3A_818, %broadcast_in_dim3A_820 : vector<16xi1>, vector<16xi32>
      %and3A_822 = arith.constant 127 : i32
      %and3A_823 = vector.broadcast %and3A_822 : i32 to vector<16xi32>
      %and3A_824 = arith.andi %select_n3A_816, %and3A_823 : vector<16xi32>
      %reduce_sum3A_825 = arith.constant true
      %reduce_sum3A_826 = vector.broadcast %reduce_sum3A_825 : i1 to vector<16xi1>
      %reduce_sum3A_827 = tpu.scan <sum>, %and3A_824 masked %reduce_sum3A_826 : vector<16xi32>, vector<16xi1> -> vector<16xi32>
      %reduce_sum3A_828 = vector.extract %reduce_sum3A_827[15] : i32 from vector<16xi32>
      %and3A_829 = arith.constant 127 : i32
      %and3A_830 = vector.broadcast %and3A_829 : i32 to vector<16xi32>
      %and3A_831 = arith.andi %select_n3A_821, %and3A_830 : vector<16xi32>
      %reduce_sum3A_832 = arith.constant true
      %reduce_sum3A_833 = vector.broadcast %reduce_sum3A_832 : i1 to vector<16xi1>
      %reduce_sum3A_834 = tpu.scan <sum>, %and3A_831 masked %reduce_sum3A_833 : vector<16xi32>, vector<16xi1> -> vector<16xi32>
      %reduce_sum3A_835 = vector.extract %reduce_sum3A_834[15] : i32 from vector<16xi32>
      %add3A_836 = arith.constant 0 : i32
      %add3A_837 = vector.broadcast %add3A_836 : i32 to vector<16xi32>
      %add3A_838 = arith.addi %select_n3A, %add3A_837 : vector<16xi32>
      %broadcast_in_dim3A_839 = arith.constant 384 : i32
      %broadcast_in_dim3A_840 = vector.broadcast %broadcast_in_dim3A_839 : i32 to vector<16xi32>
      %add3A_841 = vector.broadcast %reduce_sum3A_828 : i32 to vector<16xi32>
      %add3A_842 = arith.addi %broadcast_in_dim3A_840, %add3A_841 : vector<16xi32>
      %broadcast_in_dim3A_843 = arith.constant 384 : i32
      %broadcast_in_dim3A_844 = vector.broadcast %broadcast_in_dim3A_843 : i32 to vector<16xi32>
      %add3A_845 = vector.broadcast %reduce_sum3A_835 : i32 to vector<16xi32>
      %add3A_846 = arith.addi %broadcast_in_dim3A_844, %add3A_845 : vector<16xi32>
      %gather3A_847 = tpu.vector_load_idx %arg9[%add3A_838, %select_n3A_49, %add3A_842] : memref<4x8x1024xf32, #tpu.memory_space<vmem>>[vector<16xi32>, vector<16xi32>, vector<16xi32>], vector<16xf32>,
      %gather3A_848 = tpu.vector_load_idx %arg10[%add3A_838, %select_n3A_49, %add3A_846] : memref<4x8x1024xf32, #tpu.memory_space<vmem>>[vector<16xi32>, vector<16xi32>, vector<16xi32>], vector<16xf32>,
      %mul3A_849 = arith.mulf %gather3A_847, %gather3A_848 : vector<16xf32>
      %add3A_850 = arith.addf %broadcast_in_dim3A_50, %mul3A_849 : vector<16xf32>
      %add3A_851 = arith.constant 2 : i32
      %add3A_852 = vector.broadcast %add3A_851 : i32 to vector<16xi32>
      %add3A_853 = arith.addi %select_n3A, %add3A_852 : vector<16xi32>
      %broadcast_in_dim3A_854 = arith.constant 384 : i32
      %broadcast_in_dim3A_855 = vector.broadcast %broadcast_in_dim3A_854 : i32 to vector<16xi32>
      %add3A_856 = vector.broadcast %reduce_sum3A_828 : i32 to vector<16xi32>
      %add3A_857 = arith.addi %broadcast_in_dim3A_855, %add3A_856 : vector<16xi32>
      %broadcast_in_dim3A_858 = arith.constant 384 : i32
      %broadcast_in_dim3A_859 = vector.broadcast %broadcast_in_dim3A_858 : i32 to vector<16xi32>
      %add3A_860 = vector.broadcast %reduce_sum3A_835 : i32 to vector<16xi32>
      %add3A_861 = arith.addi %broadcast_in_dim3A_859, %add3A_860 : vector<16xi32>
      %gather3A_862 = tpu.vector_load_idx %arg9[%add3A_853, %select_n3A_49, %add3A_857] : memref<4x8x1024xf32, #tpu.memory_space<vmem>>[vector<16xi32>, vector<16xi32>, vector<16xi32>], vector<16xf32>,
      %gather3A_863 = tpu.vector_load_idx %arg10[%add3A_853, %select_n3A_49, %add3A_861] : memref<4x8x1024xf32, #tpu.memory_space<vmem>>[vector<16xi32>, vector<16xi32>, vector<16xi32>], vector<16xf32>,
      %mul3A_864 = arith.mulf %gather3A_862, %gather3A_863 : vector<16xf32>
      %add3A_865 = arith.addf %add3A_850, %mul3A_864 : vector<16xf32>
      %reduce_sum3A_866 = arith.constant true
      %reduce_sum3A_867 = vector.broadcast %reduce_sum3A_866 : i1 to vector<16xi1>
      %reduce_sum3A_868 = tpu.scan <sum>, %add3A_865 masked %reduce_sum3A_867 : vector<16xf32>, vector<16xi1> -> vector<16xf32>
      %reduce_sum3A_869 = vector.extract %reduce_sum3A_868[15] : f32 from vector<16xf32>
      %jit3A_870 = arith.constant 4 : i32
      %eq3A_871 = arith.constant 0 : i32
      %eq3A_872 = arith.cmpi eq, %jit3A_870, %eq3A_871 : i32
      %jit3A_873 = arith.constant 1 : i32
      %select_n3A_874 = arith.select %eq3A_872, %jit3A_873, %jit3A_870 : i32
      %rem3A_875 = arith.remsi %mul3A_277, %select_n3A_874 : i32
      %ne3A_876 = arith.constant 0 : i32
      %ne3A_877 = arith.cmpi ne, %rem3A_875, %ne3A_876 : i32
      %lt3A_878 = arith.constant 0 : i32
      %lt3A_879 = arith.cmpi slt, %rem3A_875, %lt3A_878 : i32
      %lt3A_880 = arith.constant 0 : i32
      %lt3A_881 = arith.cmpi slt, %select_n3A_874, %lt3A_880 : i32
      %ne3A_882 = arith.xori %lt3A_879, %lt3A_881 : i1
      %and3A_883 = arith.andi %ne3A_882, %ne3A_877 : i1
      %add3A_884 = arith.addi %rem3A_875, %select_n3A_874 : i32
      %select_n3A_885 = arith.select %and3A_883, %add3A_884, %rem3A_875 : i32
      %mul3A_886 = arith.constant 4 : i32
      %mul3A_887 = arith.muli %select_n3A_885, %mul3A_886 : i32
      %add3A_888 = arith.constant 3 : i32
      %add3A_889 = arith.addi %mul3A_887, %add3A_888 : i32
      %eq3A_890 = vector.broadcast %add3A_889 : i32 to vector<16xi32>
      %eq3A_891 = arith.cmpi eq, %iota3A_5, %eq3A_890 : vector<16xi32>
      %broadcast_in_dim3A_892 = vector.broadcast %reduce_sum3A_869 : f32 to vector<16xf32>
      %select_n3A_893 = arith.select %eq3A_891, %broadcast_in_dim3A_892, %select_n3A_807 : vector<16xi1>, vector<16xf32>
      %add3A_894 = arith.constant 2 : i32
      %add3A_895 = arith.addi %mul3A_277, %add3A_894 : i32
      %lt3A_896 = arith.constant 128 : i32
      %lt3A_897 = arith.cmpi slt, %add3A_895, %lt3A_896 : i32
      %convert_element_type3A = arith.extui %lt3A_897 : i1 to i32
      %cond3A = arith.constant 0 : i32
      %cond3A_898 = arith.cmpi ne, %convert_element_type3A, %cond3A : i32
      scf.if %cond3A_898 {
        %add3A_1298 = arith.constant 2 : i32
        %add3A_1299 = arith.addi %mul3A_277, %add3A_1298 : i32
        %mul3A_1300 = arith.constant 4 : i32
        %mul3A_1301 = arith.muli %add3A_1299, %mul3A_1300 : i32
        %add3A_1302 = arith.constant 0 : i32
        %add3A_1303 = arith.addi %mul3A_1301, %add3A_1302 : i32
        %get3A_1304 = arith.index_cast %add3A_1303 : i32 to index
        %get3A_1305 = tpu.vector_load %arg7[%get3A_1304] {strides = array<i32>} : memref<528xi32, #tpu.memory_space<vmem>>, vector<16xi32>,
        %jit3A_1306 = arith.constant 0 : i32
        %broadcast_in_dim3A_1307 = vector.broadcast %jit3A_1306 : i32 to vector<16xi32>
        %select_n3A_1308 = arith.select %eq3A_4, %get3A_1305, %broadcast_in_dim3A_1307 : vector<16xi1>, vector<16xi32>
        %reduce_sum3A_1309 = arith.constant true
        %reduce_sum3A_1310 = vector.broadcast %reduce_sum3A_1309 : i1 to vector<16xi1>
        %reduce_sum3A_1311 = tpu.scan <sum>, %select_n3A_1308 masked %reduce_sum3A_1310 : vector<16xi32>, vector<16xi1> -> vector<16xi32>
        %reduce_sum3A_1312 = vector.extract %reduce_sum3A_1311[15] : i32 from vector<16xi32>
        %get3A_1313 = arith.index_cast %add3A_1303 : i32 to index
        %get3A_1314 = tpu.vector_load %arg8[%get3A_1313] {strides = array<i32>} : memref<528xi32, #tpu.memory_space<vmem>>, vector<16xi32>,
        %jit3A_1315 = arith.constant 0 : i32
        %broadcast_in_dim3A_1316 = vector.broadcast %jit3A_1315 : i32 to vector<16xi32>
        %select_n3A_1317 = arith.select %eq3A_4, %get3A_1314, %broadcast_in_dim3A_1316 : vector<16xi1>, vector<16xi32>
        %reduce_sum3A_1318 = arith.constant true
        %reduce_sum3A_1319 = vector.broadcast %reduce_sum3A_1318 : i1 to vector<16xi1>
        %reduce_sum3A_1320 = tpu.scan <sum>, %select_n3A_1317 masked %reduce_sum3A_1319 : vector<16xi32>, vector<16xi1> -> vector<16xi32>
        %reduce_sum3A_1321 = vector.extract %reduce_sum3A_1320[15] : i32 from vector<16xi32>
        %shift_right_logical3A_1322 = arith.constant 7 : i32
        %shift_right_logical3A_1323 = arith.shrui %reduce_sum3A_1312, %shift_right_logical3A_1322 : i32
        %shift_left3A_1324 = arith.constant 7 : i32
        %shift_left3A_1325 = arith.shli %shift_right_logical3A_1323, %shift_left3A_1324 : i32
        %multiple_of3A_1326 = tpu.assume_multiple %shift_left3A_1325, 128 : i32
        %shift_right_logical3A_1327 = arith.constant 7 : i32
        %shift_right_logical3A_1328 = arith.shrui %reduce_sum3A_1321, %shift_right_logical3A_1327 : i32
        %shift_left3A_1329 = arith.constant 7 : i32
        %shift_left3A_1330 = arith.shli %shift_right_logical3A_1328, %shift_left3A_1329 : i32
        %multiple_of3A_1331 = tpu.assume_multiple %shift_left3A_1330, 128 : i32
        %dma_start3A_1332 = arith.constant 0 : i32
        %dma_start3A_1333 = arith.constant 0 : i32
        %dma_start3A_1334 = arith.constant 0 : i32
        %dma_start3A_1335 = tpu.memref_slice %arg9[%dma_start3A_1332, %dma_start3A_1333, %dma_start3A_1334] : memref<4x8x1024xf32, #tpu.memory_space<vmem>> -> memref<4x8x128xf32, #tpu.memory_space<vmem>>
        %dma_start3A_1336 = arith.constant 0 : i32
        %dma_start3A_1337 = arith.constant 0 : i32
        %dma_start3A_1338 = tpu.memref_slice %arg4[%dma_start3A_1336, %dma_start3A_1337, %multiple_of3A_1326] : memref<4x8x1000000xf32, #tpu.memory_space<hbm>> -> memref<4x8x128xf32, #tpu.memory_space<hbm>>
        %dma_start3A_1339 = arith.constant 0 : i32
        %dma_start3A_1340 = arith.constant 0 : i32
        %dma_start3A_1341 = arith.constant 0 : i32
        %dma_start3A_1342 = tpu.memref_slice %arg9[%dma_start3A_1339, %dma_start3A_1340, %dma_start3A_1341] : memref<4x8x1024xf32, #tpu.memory_space<vmem>> -> memref<4x8x128xf32, #tpu.memory_space<vmem>>
        %dma_start3A_1343 = arith.constant 0 : i32
        %dma_start3A_1344 = arith.constant 0 : i32
        %dma_start3A_1345 = tpu.memref_slice %arg4[%dma_start3A_1343, %dma_start3A_1344, %multiple_of3A_1326] : memref<4x8x1000000xf32, #tpu.memory_space<hbm>> -> memref<4x8x128xf32, #tpu.memory_space<hbm>>
        tpu.enqueue_dma source(%dma_start3A_1345 : memref<4x8x128xf32, #tpu.memory_space<hbm>>) target(%dma_start3A_1342 : memref<4x8x128xf32, #tpu.memory_space<vmem>>) target_semaphore(%arg12 : memref<!tpu.dma_semaphore, #tpu.memory_space<semaphore_mem>>)
        %dma_start3A_1346 = arith.constant 0 : i32
        %dma_start3A_1347 = arith.constant 0 : i32
        %dma_start3A_1348 = arith.constant 0 : i32
        %dma_start3A_1349 = tpu.memref_slice %arg10[%dma_start3A_1346, %dma_start3A_1347, %dma_start3A_1348] : memref<4x8x1024xf32, #tpu.memory_space<vmem>> -> memref<4x8x128xf32, #tpu.memory_space<vmem>>
        %dma_start3A_1350 = arith.constant 0 : i32
        %dma_start3A_1351 = arith.constant 0 : i32
        %dma_start3A_1352 = tpu.memref_slice %arg5[%dma_start3A_1350, %dma_start3A_1351, %multiple_of3A_1331] : memref<4x8x1000000xf32, #tpu.memory_space<hbm>> -> memref<4x8x128xf32, #tpu.memory_space<hbm>>
        %dma_start3A_1353 = arith.constant 0 : i32
        %dma_start3A_1354 = arith.constant 0 : i32
        %dma_start3A_1355 = arith.constant 0 : i32
        %dma_start3A_1356 = tpu.memref_slice %arg10[%dma_start3A_1353, %dma_start3A_1354, %dma_start3A_1355] : memref<4x8x1024xf32, #tpu.memory_space<vmem>> -> memref<4x8x128xf32, #tpu.memory_space<vmem>>
        %dma_start3A_1357 = arith.constant 0 : i32
        %dma_start3A_1358 = arith.constant 0 : i32
        %dma_start3A_1359 = tpu.memref_slice %arg5[%dma_start3A_1357, %dma_start3A_1358, %multiple_of3A_1331] : memref<4x8x1000000xf32, #tpu.memory_space<hbm>> -> memref<4x8x128xf32, #tpu.memory_space<hbm>>
        tpu.enqueue_dma source(%dma_start3A_1359 : memref<4x8x128xf32, #tpu.memory_space<hbm>>) target(%dma_start3A_1356 : memref<4x8x128xf32, #tpu.memory_space<vmem>>) target_semaphore(%arg13 : memref<!tpu.dma_semaphore, #tpu.memory_space<semaphore_mem>>)
        %mul3A_1360 = arith.constant 4 : i32
        %mul3A_1361 = arith.muli %add3A_1299, %mul3A_1360 : i32
        %add3A_1362 = arith.constant 1 : i32
        %add3A_1363 = arith.addi %mul3A_1361, %add3A_1362 : i32
        %get3A_1364 = arith.index_cast %add3A_1363 : i32 to index
        %get3A_1365 = tpu.vector_load %arg7[%get3A_1364] {strides = array<i32>} : memref<528xi32, #tpu.memory_space<vmem>>, vector<16xi32>,
        %jit3A_1366 = arith.constant 0 : i32
        %broadcast_in_dim3A_1367 = vector.broadcast %jit3A_1366 : i32 to vector<16xi32>
        %select_n3A_1368 = arith.select %eq3A_4, %get3A_1365, %broadcast_in_dim3A_1367 : vector<16xi1>, vector<16xi32>
        %reduce_sum3A_1369 = arith.constant true
        %reduce_sum3A_1370 = vector.broadcast %reduce_sum3A_1369 : i1 to vector<16xi1>
        %reduce_sum3A_1371 = tpu.scan <sum>, %select_n3A_1368 masked %reduce_sum3A_1370 : vector<16xi32>, vector<16xi1> -> vector<16xi32>
        %reduce_sum3A_1372 = vector.extract %reduce_sum3A_1371[15] : i32 from vector<16xi32>
        %get3A_1373 = arith.index_cast %add3A_1363 : i32 to index
        %get3A_1374 = tpu.vector_load %arg8[%get3A_1373] {strides = array<i32>} : memref<528xi32, #tpu.memory_space<vmem>>, vector<16xi32>,
        %jit3A_1375 = arith.constant 0 : i32
        %broadcast_in_dim3A_1376 = vector.broadcast %jit3A_1375 : i32 to vector<16xi32>
        %select_n3A_1377 = arith.select %eq3A_4, %get3A_1374, %broadcast_in_dim3A_1376 : vector<16xi1>, vector<16xi32>
        %reduce_sum3A_1378 = arith.constant true
        %reduce_sum3A_1379 = vector.broadcast %reduce_sum3A_1378 : i1 to vector<16xi1>
        %reduce_sum3A_1380 = tpu.scan <sum>, %select_n3A_1377 masked %reduce_sum3A_1379 : vector<16xi32>, vector<16xi1> -> vector<16xi32>
        %reduce_sum3A_1381 = vector.extract %reduce_sum3A_1380[15] : i32 from vector<16xi32>
        %shift_right_logical3A_1382 = arith.constant 7 : i32
        %shift_right_logical3A_1383 = arith.shrui %reduce_sum3A_1372, %shift_right_logical3A_1382 : i32
        %shift_left3A_1384 = arith.constant 7 : i32
        %shift_left3A_1385 = arith.shli %shift_right_logical3A_1383, %shift_left3A_1384 : i32
        %multiple_of3A_1386 = tpu.assume_multiple %shift_left3A_1385, 128 : i32
        %shift_right_logical3A_1387 = arith.constant 7 : i32
        %shift_right_logical3A_1388 = arith.shrui %reduce_sum3A_1381, %shift_right_logical3A_1387 : i32
        %shift_left3A_1389 = arith.constant 7 : i32
        %shift_left3A_1390 = arith.shli %shift_right_logical3A_1388, %shift_left3A_1389 : i32
        %multiple_of3A_1391 = tpu.assume_multiple %shift_left3A_1390, 128 : i32
        %dma_start3A_1392 = arith.constant 0 : i32
        %dma_start3A_1393 = arith.constant 0 : i32
        %dma_start3A_1394 = arith.constant 128 : i32
        %dma_start3A_1395 = tpu.memref_slice %arg9[%dma_start3A_1392, %dma_start3A_1393, %dma_start3A_1394] : memref<4x8x1024xf32, #tpu.memory_space<vmem>> -> memref<4x8x128xf32, #tpu.memory_space<vmem>>
        %dma_start3A_1396 = arith.constant 0 : i32
        %dma_start3A_1397 = arith.constant 0 : i32
        %dma_start3A_1398 = tpu.memref_slice %arg4[%dma_start3A_1396, %dma_start3A_1397, %multiple_of3A_1386] : memref<4x8x1000000xf32, #tpu.memory_space<hbm>> -> memref<4x8x128xf32, #tpu.memory_space<hbm>>
        %dma_start3A_1399 = arith.constant 0 : i32
        %dma_start3A_1400 = arith.constant 0 : i32
        %dma_start3A_1401 = arith.constant 128 : i32
        %dma_start3A_1402 = tpu.memref_slice %arg9[%dma_start3A_1399, %dma_start3A_1400, %dma_start3A_1401] : memref<4x8x1024xf32, #tpu.memory_space<vmem>> -> memref<4x8x128xf32, #tpu.memory_space<vmem>>
        %dma_start3A_1403 = arith.constant 0 : i32
        %dma_start3A_1404 = arith.constant 0 : i32
        %dma_start3A_1405 = tpu.memref_slice %arg4[%dma_start3A_1403, %dma_start3A_1404, %multiple_of3A_1386] : memref<4x8x1000000xf32, #tpu.memory_space<hbm>> -> memref<4x8x128xf32, #tpu.memory_space<hbm>>
        tpu.enqueue_dma source(%dma_start3A_1405 : memref<4x8x128xf32, #tpu.memory_space<hbm>>) target(%dma_start3A_1402 : memref<4x8x128xf32, #tpu.memory_space<vmem>>) target_semaphore(%arg12 : memref<!tpu.dma_semaphore, #tpu.memory_space<semaphore_mem>>)
        %dma_start3A_1406 = arith.constant 0 : i32
        %dma_start3A_1407 = arith.constant 0 : i32
        %dma_start3A_1408 = arith.constant 128 : i32
        %dma_start3A_1409 = tpu.memref_slice %arg10[%dma_start3A_1406, %dma_start3A_1407, %dma_start3A_1408] : memref<4x8x1024xf32, #tpu.memory_space<vmem>> -> memref<4x8x128xf32, #tpu.memory_space<vmem>>
        %dma_start3A_1410 = arith.constant 0 : i32
        %dma_start3A_1411 = arith.constant 0 : i32
        %dma_start3A_1412 = tpu.memref_slice %arg5[%dma_start3A_1410, %dma_start3A_1411, %multiple_of3A_1391] : memref<4x8x1000000xf32, #tpu.memory_space<hbm>> -> memref<4x8x128xf32, #tpu.memory_space<hbm>>
        %dma_start3A_1413 = arith.constant 0 : i32
        %dma_start3A_1414 = arith.constant 0 : i32
        %dma_start3A_1415 = arith.constant 128 : i32
        %dma_start3A_1416 = tpu.memref_slice %arg10[%dma_start3A_1413, %dma_start3A_1414, %dma_start3A_1415] : memref<4x8x1024xf32, #tpu.memory_space<vmem>> -> memref<4x8x128xf32, #tpu.memory_space<vmem>>
        %dma_start3A_1417 = arith.constant 0 : i32
        %dma_start3A_1418 = arith.constant 0 : i32
        %dma_start3A_1419 = tpu.memref_slice %arg5[%dma_start3A_1417, %dma_start3A_1418, %multiple_of3A_1391] : memref<4x8x1000000xf32, #tpu.memory_space<hbm>> -> memref<4x8x128xf32, #tpu.memory_space<hbm>>
        tpu.enqueue_dma source(%dma_start3A_1419 : memref<4x8x128xf32, #tpu.memory_space<hbm>>) target(%dma_start3A_1416 : memref<4x8x128xf32, #tpu.memory_space<vmem>>) target_semaphore(%arg13 : memref<!tpu.dma_semaphore, #tpu.memory_space<semaphore_mem>>)
        %mul3A_1420 = arith.constant 4 : i32
        %mul3A_1421 = arith.muli %add3A_1299, %mul3A_1420 : i32
        %add3A_1422 = arith.constant 2 : i32
        %add3A_1423 = arith.addi %mul3A_1421, %add3A_1422 : i32
        %get3A_1424 = arith.index_cast %add3A_1423 : i32 to index
        %get3A_1425 = tpu.vector_load %arg7[%get3A_1424] {strides = array<i32>} : memref<528xi32, #tpu.memory_space<vmem>>, vector<16xi32>,
        %jit3A_1426 = arith.constant 0 : i32
        %broadcast_in_dim3A_1427 = vector.broadcast %jit3A_1426 : i32 to vector<16xi32>
        %select_n3A_1428 = arith.select %eq3A_4, %get3A_1425, %broadcast_in_dim3A_1427 : vector<16xi1>, vector<16xi32>
        %reduce_sum3A_1429 = arith.constant true
        %reduce_sum3A_1430 = vector.broadcast %reduce_sum3A_1429 : i1 to vector<16xi1>
        %reduce_sum3A_1431 = tpu.scan <sum>, %select_n3A_1428 masked %reduce_sum3A_1430 : vector<16xi32>, vector<16xi1> -> vector<16xi32>
        %reduce_sum3A_1432 = vector.extract %reduce_sum3A_1431[15] : i32 from vector<16xi32>
        %get3A_1433 = arith.index_cast %add3A_1423 : i32 to index
        %get3A_1434 = tpu.vector_load %arg8[%get3A_1433] {strides = array<i32>} : memref<528xi32, #tpu.memory_space<vmem>>, vector<16xi32>,
        %jit3A_1435 = arith.constant 0 : i32
        %broadcast_in_dim3A_1436 = vector.broadcast %jit3A_1435 : i32 to vector<16xi32>
        %select_n3A_1437 = arith.select %eq3A_4, %get3A_1434, %broadcast_in_dim3A_1436 : vector<16xi1>, vector<16xi32>
        %reduce_sum3A_1438 = arith.constant true
        %reduce_sum3A_1439 = vector.broadcast %reduce_sum3A_1438 : i1 to vector<16xi1>
        %reduce_sum3A_1440 = tpu.scan <sum>, %select_n3A_1437 masked %reduce_sum3A_1439 : vector<16xi32>, vector<16xi1> -> vector<16xi32>
        %reduce_sum3A_1441 = vector.extract %reduce_sum3A_1440[15] : i32 from vector<16xi32>
        %shift_right_logical3A_1442 = arith.constant 7 : i32
        %shift_right_logical3A_1443 = arith.shrui %reduce_sum3A_1432, %shift_right_logical3A_1442 : i32
        %shift_left3A_1444 = arith.constant 7 : i32
        %shift_left3A_1445 = arith.shli %shift_right_logical3A_1443, %shift_left3A_1444 : i32
        %multiple_of3A_1446 = tpu.assume_multiple %shift_left3A_1445, 128 : i32
        %shift_right_logical3A_1447 = arith.constant 7 : i32
        %shift_right_logical3A_1448 = arith.shrui %reduce_sum3A_1441, %shift_right_logical3A_1447 : i32
        %shift_left3A_1449 = arith.constant 7 : i32
        %shift_left3A_1450 = arith.shli %shift_right_logical3A_1448, %shift_left3A_1449 : i32
        %multiple_of3A_1451 = tpu.assume_multiple %shift_left3A_1450, 128 : i32
        %dma_start3A_1452 = arith.constant 0 : i32
        %dma_start3A_1453 = arith.constant 0 : i32
        %dma_start3A_1454 = arith.constant 256 : i32
        %dma_start3A_1455 = tpu.memref_slice %arg9[%dma_start3A_1452, %dma_start3A_1453, %dma_start3A_1454] : memref<4x8x1024xf32, #tpu.memory_space<vmem>> -> memref<4x8x128xf32, #tpu.memory_space<vmem>>
        %dma_start3A_1456 = arith.constant 0 : i32
        %dma_start3A_1457 = arith.constant 0 : i32
        %dma_start3A_1458 = tpu.memref_slice %arg4[%dma_start3A_1456, %dma_start3A_1457, %multiple_of3A_1446] : memref<4x8x1000000xf32, #tpu.memory_space<hbm>> -> memref<4x8x128xf32, #tpu.memory_space<hbm>>
        %dma_start3A_1459 = arith.constant 0 : i32
        %dma_start3A_1460 = arith.constant 0 : i32
        %dma_start3A_1461 = arith.constant 256 : i32
        %dma_start3A_1462 = tpu.memref_slice %arg9[%dma_start3A_1459, %dma_start3A_1460, %dma_start3A_1461] : memref<4x8x1024xf32, #tpu.memory_space<vmem>> -> memref<4x8x128xf32, #tpu.memory_space<vmem>>
        %dma_start3A_1463 = arith.constant 0 : i32
        %dma_start3A_1464 = arith.constant 0 : i32
        %dma_start3A_1465 = tpu.memref_slice %arg4[%dma_start3A_1463, %dma_start3A_1464, %multiple_of3A_1446] : memref<4x8x1000000xf32, #tpu.memory_space<hbm>> -> memref<4x8x128xf32, #tpu.memory_space<hbm>>
        tpu.enqueue_dma source(%dma_start3A_1465 : memref<4x8x128xf32, #tpu.memory_space<hbm>>) target(%dma_start3A_1462 : memref<4x8x128xf32, #tpu.memory_space<vmem>>) target_semaphore(%arg12 : memref<!tpu.dma_semaphore, #tpu.memory_space<semaphore_mem>>)
        %dma_start3A_1466 = arith.constant 0 : i32
        %dma_start3A_1467 = arith.constant 0 : i32
        %dma_start3A_1468 = arith.constant 256 : i32
        %dma_start3A_1469 = tpu.memref_slice %arg10[%dma_start3A_1466, %dma_start3A_1467, %dma_start3A_1468] : memref<4x8x1024xf32, #tpu.memory_space<vmem>> -> memref<4x8x128xf32, #tpu.memory_space<vmem>>
        %dma_start3A_1470 = arith.constant 0 : i32
        %dma_start3A_1471 = arith.constant 0 : i32
        %dma_start3A_1472 = tpu.memref_slice %arg5[%dma_start3A_1470, %dma_start3A_1471, %multiple_of3A_1451] : memref<4x8x1000000xf32, #tpu.memory_space<hbm>> -> memref<4x8x128xf32, #tpu.memory_space<hbm>>
        %dma_start3A_1473 = arith.constant 0 : i32
        %dma_start3A_1474 = arith.constant 0 : i32
        %dma_start3A_1475 = arith.constant 256 : i32
        %dma_start3A_1476 = tpu.memref_slice %arg10[%dma_start3A_1473, %dma_start3A_1474, %dma_start3A_1475] : memref<4x8x1024xf32, #tpu.memory_space<vmem>> -> memref<4x8x128xf32, #tpu.memory_space<vmem>>
        %dma_start3A_1477 = arith.constant 0 : i32
        %dma_start3A_1478 = arith.constant 0 : i32
        %dma_start3A_1479 = tpu.memref_slice %arg5[%dma_start3A_1477, %dma_start3A_1478, %multiple_of3A_1451] : memref<4x8x1000000xf32, #tpu.memory_space<hbm>> -> memref<4x8x128xf32, #tpu.memory_space<hbm>>
        tpu.enqueue_dma source(%dma_start3A_1479 : memref<4x8x128xf32, #tpu.memory_space<hbm>>) target(%dma_start3A_1476 : memref<4x8x128xf32, #tpu.memory_space<vmem>>) target_semaphore(%arg13 : memref<!tpu.dma_semaphore, #tpu.memory_space<semaphore_mem>>)
        %mul3A_1480 = arith.constant 4 : i32
        %mul3A_1481 = arith.muli %add3A_1299, %mul3A_1480 : i32
        %add3A_1482 = arith.constant 3 : i32
        %add3A_1483 = arith.addi %mul3A_1481, %add3A_1482 : i32
        %get3A_1484 = arith.index_cast %add3A_1483 : i32 to index
        %get3A_1485 = tpu.vector_load %arg7[%get3A_1484] {strides = array<i32>} : memref<528xi32, #tpu.memory_space<vmem>>, vector<16xi32>,
        %jit3A_1486 = arith.constant 0 : i32
        %broadcast_in_dim3A_1487 = vector.broadcast %jit3A_1486 : i32 to vector<16xi32>
        %select_n3A_1488 = arith.select %eq3A_4, %get3A_1485, %broadcast_in_dim3A_1487 : vector<16xi1>, vector<16xi32>
        %reduce_sum3A_1489 = arith.constant true
        %reduce_sum3A_1490 = vector.broadcast %reduce_sum3A_1489 : i1 to vector<16xi1>
        %reduce_sum3A_1491 = tpu.scan <sum>, %select_n3A_1488 masked %reduce_sum3A_1490 : vector<16xi32>, vector<16xi1> -> vector<16xi32>
        %reduce_sum3A_1492 = vector.extract %reduce_sum3A_1491[15] : i32 from vector<16xi32>
        %get3A_1493 = arith.index_cast %add3A_1483 : i32 to index
        %get3A_1494 = tpu.vector_load %arg8[%get3A_1493] {strides = array<i32>} : memref<528xi32, #tpu.memory_space<vmem>>, vector<16xi32>,
        %jit3A_1495 = arith.constant 0 : i32
        %broadcast_in_dim3A_1496 = vector.broadcast %jit3A_1495 : i32 to vector<16xi32>
        %select_n3A_1497 = arith.select %eq3A_4, %get3A_1494, %broadcast_in_dim3A_1496 : vector<16xi1>, vector<16xi32>
        %reduce_sum3A_1498 = arith.constant true
        %reduce_sum3A_1499 = vector.broadcast %reduce_sum3A_1498 : i1 to vector<16xi1>
        %reduce_sum3A_1500 = tpu.scan <sum>, %select_n3A_1497 masked %reduce_sum3A_1499 : vector<16xi32>, vector<16xi1> -> vector<16xi32>
        %reduce_sum3A_1501 = vector.extract %reduce_sum3A_1500[15] : i32 from vector<16xi32>
        %shift_right_logical3A_1502 = arith.constant 7 : i32
        %shift_right_logical3A_1503 = arith.shrui %reduce_sum3A_1492, %shift_right_logical3A_1502 : i32
        %shift_left3A_1504 = arith.constant 7 : i32
        %shift_left3A_1505 = arith.shli %shift_right_logical3A_1503, %shift_left3A_1504 : i32
        %multiple_of3A_1506 = tpu.assume_multiple %shift_left3A_1505, 128 : i32
        %shift_right_logical3A_1507 = arith.constant 7 : i32
        %shift_right_logical3A_1508 = arith.shrui %reduce_sum3A_1501, %shift_right_logical3A_1507 : i32
        %shift_left3A_1509 = arith.constant 7 : i32
        %shift_left3A_1510 = arith.shli %shift_right_logical3A_1508, %shift_left3A_1509 : i32
        %multiple_of3A_1511 = tpu.assume_multiple %shift_left3A_1510, 128 : i32
        %dma_start3A_1512 = arith.constant 0 : i32
        %dma_start3A_1513 = arith.constant 0 : i32
        %dma_start3A_1514 = arith.constant 384 : i32
        %dma_start3A_1515 = tpu.memref_slice %arg9[%dma_start3A_1512, %dma_start3A_1513, %dma_start3A_1514] : memref<4x8x1024xf32, #tpu.memory_space<vmem>> -> memref<4x8x128xf32, #tpu.memory_space<vmem>>
        %dma_start3A_1516 = arith.constant 0 : i32
        %dma_start3A_1517 = arith.constant 0 : i32
        %dma_start3A_1518 = tpu.memref_slice %arg4[%dma_start3A_1516, %dma_start3A_1517, %multiple_of3A_1506] : memref<4x8x1000000xf32, #tpu.memory_space<hbm>> -> memref<4x8x128xf32, #tpu.memory_space<hbm>>
        %dma_start3A_1519 = arith.constant 0 : i32
        %dma_start3A_1520 = arith.constant 0 : i32
        %dma_start3A_1521 = arith.constant 384 : i32
        %dma_start3A_1522 = tpu.memref_slice %arg9[%dma_start3A_1519, %dma_start3A_1520, %dma_start3A_1521] : memref<4x8x1024xf32, #tpu.memory_space<vmem>> -> memref<4x8x128xf32, #tpu.memory_space<vmem>>
        %dma_start3A_1523 = arith.constant 0 : i32
        %dma_start3A_1524 = arith.constant 0 : i32
        %dma_start3A_1525 = tpu.memref_slice %arg4[%dma_start3A_1523, %dma_start3A_1524, %multiple_of3A_1506] : memref<4x8x1000000xf32, #tpu.memory_space<hbm>> -> memref<4x8x128xf32, #tpu.memory_space<hbm>>
        tpu.enqueue_dma source(%dma_start3A_1525 : memref<4x8x128xf32, #tpu.memory_space<hbm>>) target(%dma_start3A_1522 : memref<4x8x128xf32, #tpu.memory_space<vmem>>) target_semaphore(%arg12 : memref<!tpu.dma_semaphore, #tpu.memory_space<semaphore_mem>>)
        %dma_start3A_1526 = arith.constant 0 : i32
        %dma_start3A_1527 = arith.constant 0 : i32
        %dma_start3A_1528 = arith.constant 384 : i32
        %dma_start3A_1529 = tpu.memref_slice %arg10[%dma_start3A_1526, %dma_start3A_1527, %dma_start3A_1528] : memref<4x8x1024xf32, #tpu.memory_space<vmem>> -> memref<4x8x128xf32, #tpu.memory_space<vmem>>
        %dma_start3A_1530 = arith.constant 0 : i32
        %dma_start3A_1531 = arith.constant 0 : i32
        %dma_start3A_1532 = tpu.memref_slice %arg5[%dma_start3A_1530, %dma_start3A_1531, %multiple_of3A_1511] : memref<4x8x1000000xf32, #tpu.memory_space<hbm>> -> memref<4x8x128xf32, #tpu.memory_space<hbm>>
        %dma_start3A_1533 = arith.constant 0 : i32
        %dma_start3A_1534 = arith.constant 0 : i32
        %dma_start3A_1535 = arith.constant 384 : i32
        %dma_start3A_1536 = tpu.memref_slice %arg10[%dma_start3A_1533, %dma_start3A_1534, %dma_start3A_1535] : memref<4x8x1024xf32, #tpu.memory_space<vmem>> -> memref<4x8x128xf32, #tpu.memory_space<vmem>>
        %dma_start3A_1537 = arith.constant 0 : i32
        %dma_start3A_1538 = arith.constant 0 : i32
        %dma_start3A_1539 = tpu.memref_slice %arg5[%dma_start3A_1537, %dma_start3A_1538, %multiple_of3A_1511] : memref<4x8x1000000xf32, #tpu.memory_space<hbm>> -> memref<4x8x128xf32, #tpu.memory_space<hbm>>
        tpu.enqueue_dma source(%dma_start3A_1539 : memref<4x8x128xf32, #tpu.memory_space<hbm>>) target(%dma_start3A_1536 : memref<4x8x128xf32, #tpu.memory_space<vmem>>) target_semaphore(%arg13 : memref<!tpu.dma_semaphore, #tpu.memory_space<semaphore_mem>>)
      } else {
      }
      %dma_wait3A_899 = arith.constant 0 : i32
      %dma_wait3A_900 = arith.constant 0 : i32
      %dma_wait3A_901 = arith.constant 512 : i32
      %dma_wait3A_902 = tpu.memref_slice %arg9[%dma_wait3A_899, %dma_wait3A_900, %dma_wait3A_901] : memref<4x8x1024xf32, #tpu.memory_space<vmem>> -> memref<4x8x512xf32, #tpu.memory_space<vmem>>
      %dma_wait3A_903 = arith.constant 0 : i32
      %dma_wait3A_904 = arith.constant 0 : i32
      %dma_wait3A_905 = arith.constant 0 : i32
      %dma_wait3A_906 = tpu.memref_slice %arg4[%dma_wait3A_903, %dma_wait3A_904, %dma_wait3A_905] : memref<4x8x1000000xf32, #tpu.memory_space<hbm>> -> memref<4x8x512xf32, #tpu.memory_space<hbm>>
      %dma_wait3A_907 = arith.constant 0 : i32
      %dma_wait3A_908 = arith.constant 0 : i32
      %dma_wait3A_909 = arith.constant 512 : i32
      %dma_wait3A_910 = tpu.memref_slice %arg9[%dma_wait3A_907, %dma_wait3A_908, %dma_wait3A_909] : memref<4x8x1024xf32, #tpu.memory_space<vmem>> -> memref<4x8x512xf32, #tpu.memory_space<vmem>>
      %dma_wait3A_911 = arith.constant 0 : i32
      %dma_wait3A_912 = arith.constant 0 : i32
      %dma_wait3A_913 = arith.constant 0 : i32
      %dma_wait3A_914 = tpu.memref_slice %arg4[%dma_wait3A_911, %dma_wait3A_912, %dma_wait3A_913] : memref<4x8x1000000xf32, #tpu.memory_space<hbm>> -> memref<4x8x512xf32, #tpu.memory_space<hbm>>
      tpu.wait_dma2 semaphore(%arg14 : memref<!tpu.dma_semaphore, #tpu.memory_space<semaphore_mem>>) src(%dma_wait3A_914 : memref<4x8x512xf32, #tpu.memory_space<hbm>>) dst(%dma_wait3A_910 : memref<4x8x512xf32, #tpu.memory_space<vmem>>)
      %dma_wait3A_915 = arith.constant 0 : i32
      %dma_wait3A_916 = arith.constant 0 : i32
      %dma_wait3A_917 = arith.constant 512 : i32
      %dma_wait3A_918 = tpu.memref_slice %arg10[%dma_wait3A_915, %dma_wait3A_916, %dma_wait3A_917] : memref<4x8x1024xf32, #tpu.memory_space<vmem>> -> memref<4x8x512xf32, #tpu.memory_space<vmem>>
      %dma_wait3A_919 = arith.constant 0 : i32
      %dma_wait3A_920 = arith.constant 0 : i32
      %dma_wait3A_921 = arith.constant 0 : i32
      %dma_wait3A_922 = tpu.memref_slice %arg5[%dma_wait3A_919, %dma_wait3A_920, %dma_wait3A_921] : memref<4x8x1000000xf32, #tpu.memory_space<hbm>> -> memref<4x8x512xf32, #tpu.memory_space<hbm>>
      %dma_wait3A_923 = arith.constant 0 : i32
      %dma_wait3A_924 = arith.constant 0 : i32
      %dma_wait3A_925 = arith.constant 512 : i32
      %dma_wait3A_926 = tpu.memref_slice %arg10[%dma_wait3A_923, %dma_wait3A_924, %dma_wait3A_925] : memref<4x8x1024xf32, #tpu.memory_space<vmem>> -> memref<4x8x512xf32, #tpu.memory_space<vmem>>
      %dma_wait3A_927 = arith.constant 0 : i32
      %dma_wait3A_928 = arith.constant 0 : i32
      %dma_wait3A_929 = arith.constant 0 : i32
      %dma_wait3A_930 = tpu.memref_slice %arg5[%dma_wait3A_927, %dma_wait3A_928, %dma_wait3A_929] : memref<4x8x1000000xf32, #tpu.memory_space<hbm>> -> memref<4x8x512xf32, #tpu.memory_space<hbm>>
      tpu.wait_dma2 semaphore(%arg15 : memref<!tpu.dma_semaphore, #tpu.memory_space<semaphore_mem>>) src(%dma_wait3A_930 : memref<4x8x512xf32, #tpu.memory_space<hbm>>) dst(%dma_wait3A_926 : memref<4x8x512xf32, #tpu.memory_space<vmem>>)
      %add3A_931 = arith.constant 1 : i32
      %add3A_932 = arith.addi %mul3A_277, %add3A_931 : i32
      %mul3A_933 = arith.constant 4 : i32
      %mul3A_934 = arith.muli %add3A_932, %mul3A_933 : i32
      %add3A_935 = arith.constant 0 : i32
      %add3A_936 = arith.addi %mul3A_934, %add3A_935 : i32
      %get3A_937 = arith.index_cast %add3A_936 : i32 to index
      %get3A_938 = tpu.vector_load %arg7[%get3A_937] {strides = array<i32>} : memref<528xi32, #tpu.memory_space<vmem>>, vector<16xi32>,
      %jit3A_939 = arith.constant 0 : i32
      %broadcast_in_dim3A_940 = vector.broadcast %jit3A_939 : i32 to vector<16xi32>
      %select_n3A_941 = arith.select %eq3A_4, %get3A_938, %broadcast_in_dim3A_940 : vector<16xi1>, vector<16xi32>
      %get3A_942 = arith.index_cast %add3A_936 : i32 to index
      %get3A_943 = tpu.vector_load %arg8[%get3A_942] {strides = array<i32>} : memref<528xi32, #tpu.memory_space<vmem>>, vector<16xi32>,
      %jit3A_944 = arith.constant 0 : i32
      %broadcast_in_dim3A_945 = vector.broadcast %jit3A_944 : i32 to vector<16xi32>
      %select_n3A_946 = arith.select %eq3A_4, %get3A_943, %broadcast_in_dim3A_945 : vector<16xi1>, vector<16xi32>
      %and3A_947 = arith.constant 127 : i32
      %and3A_948 = vector.broadcast %and3A_947 : i32 to vector<16xi32>
      %and3A_949 = arith.andi %select_n3A_941, %and3A_948 : vector<16xi32>
      %reduce_sum3A_950 = arith.constant true
      %reduce_sum3A_951 = vector.broadcast %reduce_sum3A_950 : i1 to vector<16xi1>
      %reduce_sum3A_952 = tpu.scan <sum>, %and3A_949 masked %reduce_sum3A_951 : vector<16xi32>, vector<16xi1> -> vector<16xi32>
      %reduce_sum3A_953 = vector.extract %reduce_sum3A_952[15] : i32 from vector<16xi32>
      %and3A_954 = arith.constant 127 : i32
      %and3A_955 = vector.broadcast %and3A_954 : i32 to vector<16xi32>
      %and3A_956 = arith.andi %select_n3A_946, %and3A_955 : vector<16xi32>
      %reduce_sum3A_957 = arith.constant true
      %reduce_sum3A_958 = vector.broadcast %reduce_sum3A_957 : i1 to vector<16xi1>
      %reduce_sum3A_959 = tpu.scan <sum>, %and3A_956 masked %reduce_sum3A_958 : vector<16xi32>, vector<16xi1> -> vector<16xi32>
      %reduce_sum3A_960 = vector.extract %reduce_sum3A_959[15] : i32 from vector<16xi32>
      %add3A_961 = arith.constant 0 : i32
      %add3A_962 = vector.broadcast %add3A_961 : i32 to vector<16xi32>
      %add3A_963 = arith.addi %select_n3A, %add3A_962 : vector<16xi32>
      %broadcast_in_dim3A_964 = arith.constant 512 : i32
      %broadcast_in_dim3A_965 = vector.broadcast %broadcast_in_dim3A_964 : i32 to vector<16xi32>
      %add3A_966 = vector.broadcast %reduce_sum3A_953 : i32 to vector<16xi32>
      %add3A_967 = arith.addi %broadcast_in_dim3A_965, %add3A_966 : vector<16xi32>
      %broadcast_in_dim3A_968 = arith.constant 512 : i32
      %broadcast_in_dim3A_969 = vector.broadcast %broadcast_in_dim3A_968 : i32 to vector<16xi32>
      %add3A_970 = vector.broadcast %reduce_sum3A_960 : i32 to vector<16xi32>
      %add3A_971 = arith.addi %broadcast_in_dim3A_969, %add3A_970 : vector<16xi32>
      %gather3A_972 = tpu.vector_load_idx %arg9[%add3A_963, %select_n3A_49, %add3A_967] : memref<4x8x1024xf32, #tpu.memory_space<vmem>>[vector<16xi32>, vector<16xi32>, vector<16xi32>], vector<16xf32>,
      %gather3A_973 = tpu.vector_load_idx %arg10[%add3A_963, %select_n3A_49, %add3A_971] : memref<4x8x1024xf32, #tpu.memory_space<vmem>>[vector<16xi32>, vector<16xi32>, vector<16xi32>], vector<16xf32>,
      %mul3A_974 = arith.mulf %gather3A_972, %gather3A_973 : vector<16xf32>
      %add3A_975 = arith.addf %broadcast_in_dim3A_50, %mul3A_974 : vector<16xf32>
      %add3A_976 = arith.constant 2 : i32
      %add3A_977 = vector.broadcast %add3A_976 : i32 to vector<16xi32>
      %add3A_978 = arith.addi %select_n3A, %add3A_977 : vector<16xi32>
      %broadcast_in_dim3A_979 = arith.constant 512 : i32
      %broadcast_in_dim3A_980 = vector.broadcast %broadcast_in_dim3A_979 : i32 to vector<16xi32>
      %add3A_981 = vector.broadcast %reduce_sum3A_953 : i32 to vector<16xi32>
      %add3A_982 = arith.addi %broadcast_in_dim3A_980, %add3A_981 : vector<16xi32>
      %broadcast_in_dim3A_983 = arith.constant 512 : i32
      %broadcast_in_dim3A_984 = vector.broadcast %broadcast_in_dim3A_983 : i32 to vector<16xi32>
      %add3A_985 = vector.broadcast %reduce_sum3A_960 : i32 to vector<16xi32>
      %add3A_986 = arith.addi %broadcast_in_dim3A_984, %add3A_985 : vector<16xi32>
      %gather3A_987 = tpu.vector_load_idx %arg9[%add3A_978, %select_n3A_49, %add3A_982] : memref<4x8x1024xf32, #tpu.memory_space<vmem>>[vector<16xi32>, vector<16xi32>, vector<16xi32>], vector<16xf32>,
      %gather3A_988 = tpu.vector_load_idx %arg10[%add3A_978, %select_n3A_49, %add3A_986] : memref<4x8x1024xf32, #tpu.memory_space<vmem>>[vector<16xi32>, vector<16xi32>, vector<16xi32>], vector<16xf32>,
      %mul3A_989 = arith.mulf %gather3A_987, %gather3A_988 : vector<16xf32>
      %add3A_990 = arith.addf %add3A_975, %mul3A_989 : vector<16xf32>
      %reduce_sum3A_991 = arith.constant true
      %reduce_sum3A_992 = vector.broadcast %reduce_sum3A_991 : i1 to vector<16xi1>
      %reduce_sum3A_993 = tpu.scan <sum>, %add3A_990 masked %reduce_sum3A_992 : vector<16xf32>, vector<16xi1> -> vector<16xf32>
      %reduce_sum3A_994 = vector.extract %reduce_sum3A_993[15] : f32 from vector<16xf32>
      %jit3A_995 = arith.constant 4 : i32
      %eq3A_996 = arith.constant 0 : i32
      %eq3A_997 = arith.cmpi eq, %jit3A_995, %eq3A_996 : i32
      %jit3A_998 = arith.constant 1 : i32
      %select_n3A_999 = arith.select %eq3A_997, %jit3A_998, %jit3A_995 : i32
      %rem3A_1000 = arith.remsi %add3A_932, %select_n3A_999 : i32
      %ne3A_1001 = arith.constant 0 : i32
      %ne3A_1002 = arith.cmpi ne, %rem3A_1000, %ne3A_1001 : i32
      %lt3A_1003 = arith.constant 0 : i32
      %lt3A_1004 = arith.cmpi slt, %rem3A_1000, %lt3A_1003 : i32
      %lt3A_1005 = arith.constant 0 : i32
      %lt3A_1006 = arith.cmpi slt, %select_n3A_999, %lt3A_1005 : i32
      %ne3A_1007 = arith.xori %lt3A_1004, %lt3A_1006 : i1
      %and3A_1008 = arith.andi %ne3A_1007, %ne3A_1002 : i1
      %add3A_1009 = arith.addi %rem3A_1000, %select_n3A_999 : i32
      %select_n3A_1010 = arith.select %and3A_1008, %add3A_1009, %rem3A_1000 : i32
      %mul3A_1011 = arith.constant 4 : i32
      %mul3A_1012 = arith.muli %select_n3A_1010, %mul3A_1011 : i32
      %add3A_1013 = arith.constant 0 : i32
      %add3A_1014 = arith.addi %mul3A_1012, %add3A_1013 : i32
      %eq3A_1015 = vector.broadcast %add3A_1014 : i32 to vector<16xi32>
      %eq3A_1016 = arith.cmpi eq, %iota3A_5, %eq3A_1015 : vector<16xi32>
      %broadcast_in_dim3A_1017 = vector.broadcast %reduce_sum3A_994 : f32 to vector<16xf32>
      %select_n3A_1018 = arith.select %eq3A_1016, %broadcast_in_dim3A_1017, %select_n3A_893 : vector<16xi1>, vector<16xf32>
      %mul3A_1019 = arith.constant 4 : i32
      %mul3A_1020 = arith.muli %add3A_932, %mul3A_1019 : i32
      %add3A_1021 = arith.constant 1 : i32
      %add3A_1022 = arith.addi %mul3A_1020, %add3A_1021 : i32
      %get3A_1023 = arith.index_cast %add3A_1022 : i32 to index
      %get3A_1024 = tpu.vector_load %arg7[%get3A_1023] {strides = array<i32>} : memref<528xi32, #tpu.memory_space<vmem>>, vector<16xi32>,
      %jit3A_1025 = arith.constant 0 : i32
      %broadcast_in_dim3A_1026 = vector.broadcast %jit3A_1025 : i32 to vector<16xi32>
      %select_n3A_1027 = arith.select %eq3A_4, %get3A_1024, %broadcast_in_dim3A_1026 : vector<16xi1>, vector<16xi32>
      %get3A_1028 = arith.index_cast %add3A_1022 : i32 to index
      %get3A_1029 = tpu.vector_load %arg8[%get3A_1028] {strides = array<i32>} : memref<528xi32, #tpu.memory_space<vmem>>, vector<16xi32>,
      %jit3A_1030 = arith.constant 0 : i32
      %broadcast_in_dim3A_1031 = vector.broadcast %jit3A_1030 : i32 to vector<16xi32>
      %select_n3A_1032 = arith.select %eq3A_4, %get3A_1029, %broadcast_in_dim3A_1031 : vector<16xi1>, vector<16xi32>
      %and3A_1033 = arith.constant 127 : i32
      %and3A_1034 = vector.broadcast %and3A_1033 : i32 to vector<16xi32>
      %and3A_1035 = arith.andi %select_n3A_1027, %and3A_1034 : vector<16xi32>
      %reduce_sum3A_1036 = arith.constant true
      %reduce_sum3A_1037 = vector.broadcast %reduce_sum3A_1036 : i1 to vector<16xi1>
      %reduce_sum3A_1038 = tpu.scan <sum>, %and3A_1035 masked %reduce_sum3A_1037 : vector<16xi32>, vector<16xi1> -> vector<16xi32>
      %reduce_sum3A_1039 = vector.extract %reduce_sum3A_1038[15] : i32 from vector<16xi32>
      %and3A_1040 = arith.constant 127 : i32
      %and3A_1041 = vector.broadcast %and3A_1040 : i32 to vector<16xi32>
      %and3A_1042 = arith.andi %select_n3A_1032, %and3A_1041 : vector<16xi32>
      %reduce_sum3A_1043 = arith.constant true
      %reduce_sum3A_1044 = vector.broadcast %reduce_sum3A_1043 : i1 to vector<16xi1>
      %reduce_sum3A_1045 = tpu.scan <sum>, %and3A_1042 masked %reduce_sum3A_1044 : vector<16xi32>, vector<16xi1> -> vector<16xi32>
      %reduce_sum3A_1046 = vector.extract %reduce_sum3A_1045[15] : i32 from vector<16xi32>
      %add3A_1047 = arith.constant 0 : i32
      %add3A_1048 = vector.broadcast %add3A_1047 : i32 to vector<16xi32>
      %add3A_1049 = arith.addi %select_n3A, %add3A_1048 : vector<16xi32>
      %broadcast_in_dim3A_1050 = arith.constant 640 : i32
      %broadcast_in_dim3A_1051 = vector.broadcast %broadcast_in_dim3A_1050 : i32 to vector<16xi32>
      %add3A_1052 = vector.broadcast %reduce_sum3A_1039 : i32 to vector<16xi32>
      %add3A_1053 = arith.addi %broadcast_in_dim3A_1051, %add3A_1052 : vector<16xi32>
      %broadcast_in_dim3A_1054 = arith.constant 640 : i32
      %broadcast_in_dim3A_1055 = vector.broadcast %broadcast_in_dim3A_1054 : i32 to vector<16xi32>
      %add3A_1056 = vector.broadcast %reduce_sum3A_1046 : i32 to vector<16xi32>
      %add3A_1057 = arith.addi %broadcast_in_dim3A_1055, %add3A_1056 : vector<16xi32>
      %gather3A_1058 = tpu.vector_load_idx %arg9[%add3A_1049, %select_n3A_49, %add3A_1053] : memref<4x8x1024xf32, #tpu.memory_space<vmem>>[vector<16xi32>, vector<16xi32>, vector<16xi32>], vector<16xf32>,
      %gather3A_1059 = tpu.vector_load_idx %arg10[%add3A_1049, %select_n3A_49, %add3A_1057] : memref<4x8x1024xf32, #tpu.memory_space<vmem>>[vector<16xi32>, vector<16xi32>, vector<16xi32>], vector<16xf32>,
      %mul3A_1060 = arith.mulf %gather3A_1058, %gather3A_1059 : vector<16xf32>
      %add3A_1061 = arith.addf %broadcast_in_dim3A_50, %mul3A_1060 : vector<16xf32>
      %add3A_1062 = arith.constant 2 : i32
      %add3A_1063 = vector.broadcast %add3A_1062 : i32 to vector<16xi32>
      %add3A_1064 = arith.addi %select_n3A, %add3A_1063 : vector<16xi32>
      %broadcast_in_dim3A_1065 = arith.constant 640 : i32
      %broadcast_in_dim3A_1066 = vector.broadcast %broadcast_in_dim3A_1065 : i32 to vector<16xi32>
      %add3A_1067 = vector.broadcast %reduce_sum3A_1039 : i32 to vector<16xi32>
      %add3A_1068 = arith.addi %broadcast_in_dim3A_1066, %add3A_1067 : vector<16xi32>
      %broadcast_in_dim3A_1069 = arith.constant 640 : i32
      %broadcast_in_dim3A_1070 = vector.broadcast %broadcast_in_dim3A_1069 : i32 to vector<16xi32>
      %add3A_1071 = vector.broadcast %reduce_sum3A_1046 : i32 to vector<16xi32>
      %add3A_1072 = arith.addi %broadcast_in_dim3A_1070, %add3A_1071 : vector<16xi32>
      %gather3A_1073 = tpu.vector_load_idx %arg9[%add3A_1064, %select_n3A_49, %add3A_1068] : memref<4x8x1024xf32, #tpu.memory_space<vmem>>[vector<16xi32>, vector<16xi32>, vector<16xi32>], vector<16xf32>,
      %gather3A_1074 = tpu.vector_load_idx %arg10[%add3A_1064, %select_n3A_49, %add3A_1072] : memref<4x8x1024xf32, #tpu.memory_space<vmem>>[vector<16xi32>, vector<16xi32>, vector<16xi32>], vector<16xf32>,
      %mul3A_1075 = arith.mulf %gather3A_1073, %gather3A_1074 : vector<16xf32>
      %add3A_1076 = arith.addf %add3A_1061, %mul3A_1075 : vector<16xf32>
      %reduce_sum3A_1077 = arith.constant true
      %reduce_sum3A_1078 = vector.broadcast %reduce_sum3A_1077 : i1 to vector<16xi1>
      %reduce_sum3A_1079 = tpu.scan <sum>, %add3A_1076 masked %reduce_sum3A_1078 : vector<16xf32>, vector<16xi1> -> vector<16xf32>
      %reduce_sum3A_1080 = vector.extract %reduce_sum3A_1079[15] : f32 from vector<16xf32>
      %jit3A_1081 = arith.constant 4 : i32
      %eq3A_1082 = arith.constant 0 : i32
      %eq3A_1083 = arith.cmpi eq, %jit3A_1081, %eq3A_1082 : i32
      %jit3A_1084 = arith.constant 1 : i32
      %select_n3A_1085 = arith.select %eq3A_1083, %jit3A_1084, %jit3A_1081 : i32
      %rem3A_1086 = arith.remsi %add3A_932, %select_n3A_1085 : i32
      %ne3A_1087 = arith.constant 0 : i32
      %ne3A_1088 = arith.cmpi ne, %rem3A_1086, %ne3A_1087 : i32
      %lt3A_1089 = arith.constant 0 : i32
      %lt3A_1090 = arith.cmpi slt, %rem3A_1086, %lt3A_1089 : i32
      %lt3A_1091 = arith.constant 0 : i32
      %lt3A_1092 = arith.cmpi slt, %select_n3A_1085, %lt3A_1091 : i32
      %ne3A_1093 = arith.xori %lt3A_1090, %lt3A_1092 : i1
      %and3A_1094 = arith.andi %ne3A_1093, %ne3A_1088 : i1
      %add3A_1095 = arith.addi %rem3A_1086, %select_n3A_1085 : i32
      %select_n3A_1096 = arith.select %and3A_1094, %add3A_1095, %rem3A_1086 : i32
      %mul3A_1097 = arith.constant 4 : i32
      %mul3A_1098 = arith.muli %select_n3A_1096, %mul3A_1097 : i32
      %add3A_1099 = arith.constant 1 : i32
      %add3A_1100 = arith.addi %mul3A_1098, %add3A_1099 : i32
      %eq3A_1101 = vector.broadcast %add3A_1100 : i32 to vector<16xi32>
      %eq3A_1102 = arith.cmpi eq, %iota3A_5, %eq3A_1101 : vector<16xi32>
      %broadcast_in_dim3A_1103 = vector.broadcast %reduce_sum3A_1080 : f32 to vector<16xf32>
      %select_n3A_1104 = arith.select %eq3A_1102, %broadcast_in_dim3A_1103, %select_n3A_1018 : vector<16xi1>, vector<16xf32>
      %mul3A_1105 = arith.constant 4 : i32
      %mul3A_1106 = arith.muli %add3A_932, %mul3A_1105 : i32
      %add3A_1107 = arith.constant 2 : i32
      %add3A_1108 = arith.addi %mul3A_1106, %add3A_1107 : i32
      %get3A_1109 = arith.index_cast %add3A_1108 : i32 to index
      %get3A_1110 = tpu.vector_load %arg7[%get3A_1109] {strides = array<i32>} : memref<528xi32, #tpu.memory_space<vmem>>, vector<16xi32>,
      %jit3A_1111 = arith.constant 0 : i32
      %broadcast_in_dim3A_1112 = vector.broadcast %jit3A_1111 : i32 to vector<16xi32>
      %select_n3A_1113 = arith.select %eq3A_4, %get3A_1110, %broadcast_in_dim3A_1112 : vector<16xi1>, vector<16xi32>
      %get3A_1114 = arith.index_cast %add3A_1108 : i32 to index
      %get3A_1115 = tpu.vector_load %arg8[%get3A_1114] {strides = array<i32>} : memref<528xi32, #tpu.memory_space<vmem>>, vector<16xi32>,
      %jit3A_1116 = arith.constant 0 : i32
      %broadcast_in_dim3A_1117 = vector.broadcast %jit3A_1116 : i32 to vector<16xi32>
      %select_n3A_1118 = arith.select %eq3A_4, %get3A_1115, %broadcast_in_dim3A_1117 : vector<16xi1>, vector<16xi32>
      %and3A_1119 = arith.constant 127 : i32
      %and3A_1120 = vector.broadcast %and3A_1119 : i32 to vector<16xi32>
      %and3A_1121 = arith.andi %select_n3A_1113, %and3A_1120 : vector<16xi32>
      %reduce_sum3A_1122 = arith.constant true
      %reduce_sum3A_1123 = vector.broadcast %reduce_sum3A_1122 : i1 to vector<16xi1>
      %reduce_sum3A_1124 = tpu.scan <sum>, %and3A_1121 masked %reduce_sum3A_1123 : vector<16xi32>, vector<16xi1> -> vector<16xi32>
      %reduce_sum3A_1125 = vector.extract %reduce_sum3A_1124[15] : i32 from vector<16xi32>
      %and3A_1126 = arith.constant 127 : i32
      %and3A_1127 = vector.broadcast %and3A_1126 : i32 to vector<16xi32>
      %and3A_1128 = arith.andi %select_n3A_1118, %and3A_1127 : vector<16xi32>
      %reduce_sum3A_1129 = arith.constant true
      %reduce_sum3A_1130 = vector.broadcast %reduce_sum3A_1129 : i1 to vector<16xi1>
      %reduce_sum3A_1131 = tpu.scan <sum>, %and3A_1128 masked %reduce_sum3A_1130 : vector<16xi32>, vector<16xi1> -> vector<16xi32>
      %reduce_sum3A_1132 = vector.extract %reduce_sum3A_1131[15] : i32 from vector<16xi32>
      %add3A_1133 = arith.constant 0 : i32
      %add3A_1134 = vector.broadcast %add3A_1133 : i32 to vector<16xi32>
      %add3A_1135 = arith.addi %select_n3A, %add3A_1134 : vector<16xi32>
      %broadcast_in_dim3A_1136 = arith.constant 768 : i32
      %broadcast_in_dim3A_1137 = vector.broadcast %broadcast_in_dim3A_1136 : i32 to vector<16xi32>
      %add3A_1138 = vector.broadcast %reduce_sum3A_1125 : i32 to vector<16xi32>
      %add3A_1139 = arith.addi %broadcast_in_dim3A_1137, %add3A_1138 : vector<16xi32>
      %broadcast_in_dim3A_1140 = arith.constant 768 : i32
      %broadcast_in_dim3A_1141 = vector.broadcast %broadcast_in_dim3A_1140 : i32 to vector<16xi32>
      %add3A_1142 = vector.broadcast %reduce_sum3A_1132 : i32 to vector<16xi32>
      %add3A_1143 = arith.addi %broadcast_in_dim3A_1141, %add3A_1142 : vector<16xi32>
      %gather3A_1144 = tpu.vector_load_idx %arg9[%add3A_1135, %select_n3A_49, %add3A_1139] : memref<4x8x1024xf32, #tpu.memory_space<vmem>>[vector<16xi32>, vector<16xi32>, vector<16xi32>], vector<16xf32>,
      %gather3A_1145 = tpu.vector_load_idx %arg10[%add3A_1135, %select_n3A_49, %add3A_1143] : memref<4x8x1024xf32, #tpu.memory_space<vmem>>[vector<16xi32>, vector<16xi32>, vector<16xi32>], vector<16xf32>,
      %mul3A_1146 = arith.mulf %gather3A_1144, %gather3A_1145 : vector<16xf32>
      %add3A_1147 = arith.addf %broadcast_in_dim3A_50, %mul3A_1146 : vector<16xf32>
      %add3A_1148 = arith.constant 2 : i32
      %add3A_1149 = vector.broadcast %add3A_1148 : i32 to vector<16xi32>
      %add3A_1150 = arith.addi %select_n3A, %add3A_1149 : vector<16xi32>
      %broadcast_in_dim3A_1151 = arith.constant 768 : i32
      %broadcast_in_dim3A_1152 = vector.broadcast %broadcast_in_dim3A_1151 : i32 to vector<16xi32>
      %add3A_1153 = vector.broadcast %reduce_sum3A_1125 : i32 to vector<16xi32>
      %add3A_1154 = arith.addi %broadcast_in_dim3A_1152, %add3A_1153 : vector<16xi32>
      %broadcast_in_dim3A_1155 = arith.constant 768 : i32
      %broadcast_in_dim3A_1156 = vector.broadcast %broadcast_in_dim3A_1155 : i32 to vector<16xi32>
      %add3A_1157 = vector.broadcast %reduce_sum3A_1132 : i32 to vector<16xi32>
      %add3A_1158 = arith.addi %broadcast_in_dim3A_1156, %add3A_1157 : vector<16xi32>
      %gather3A_1159 = tpu.vector_load_idx %arg9[%add3A_1150, %select_n3A_49, %add3A_1154] : memref<4x8x1024xf32, #tpu.memory_space<vmem>>[vector<16xi32>, vector<16xi32>, vector<16xi32>], vector<16xf32>,
      %gather3A_1160 = tpu.vector_load_idx %arg10[%add3A_1150, %select_n3A_49, %add3A_1158] : memref<4x8x1024xf32, #tpu.memory_space<vmem>>[vector<16xi32>, vector<16xi32>, vector<16xi32>], vector<16xf32>,
      %mul3A_1161 = arith.mulf %gather3A_1159, %gather3A_1160 : vector<16xf32>
      %add3A_1162 = arith.addf %add3A_1147, %mul3A_1161 : vector<16xf32>
      %reduce_sum3A_1163 = arith.constant true
      %reduce_sum3A_1164 = vector.broadcast %reduce_sum3A_1163 : i1 to vector<16xi1>
      %reduce_sum3A_1165 = tpu.scan <sum>, %add3A_1162 masked %reduce_sum3A_1164 : vector<16xf32>, vector<16xi1> -> vector<16xf32>
      %reduce_sum3A_1166 = vector.extract %reduce_sum3A_1165[15] : f32 from vector<16xf32>
      %jit3A_1167 = arith.constant 4 : i32
      %eq3A_1168 = arith.constant 0 : i32
      %eq3A_1169 = arith.cmpi eq, %jit3A_1167, %eq3A_1168 : i32
      %jit3A_1170 = arith.constant 1 : i32
      %select_n3A_1171 = arith.select %eq3A_1169, %jit3A_1170, %jit3A_1167 : i32
      %rem3A_1172 = arith.remsi %add3A_932, %select_n3A_1171 : i32
      %ne3A_1173 = arith.constant 0 : i32
      %ne3A_1174 = arith.cmpi ne, %rem3A_1172, %ne3A_1173 : i32
      %lt3A_1175 = arith.constant 0 : i32
      %lt3A_1176 = arith.cmpi slt, %rem3A_1172, %lt3A_1175 : i32
      %lt3A_1177 = arith.constant 0 : i32
      %lt3A_1178 = arith.cmpi slt, %select_n3A_1171, %lt3A_1177 : i32
      %ne3A_1179 = arith.xori %lt3A_1176, %lt3A_1178 : i1
      %and3A_1180 = arith.andi %ne3A_1179, %ne3A_1174 : i1
      %add3A_1181 = arith.addi %rem3A_1172, %select_n3A_1171 : i32
      %select_n3A_1182 = arith.select %and3A_1180, %add3A_1181, %rem3A_1172 : i32
      %mul3A_1183 = arith.constant 4 : i32
      %mul3A_1184 = arith.muli %select_n3A_1182, %mul3A_1183 : i32
      %add3A_1185 = arith.constant 2 : i32
      %add3A_1186 = arith.addi %mul3A_1184, %add3A_1185 : i32
      %eq3A_1187 = vector.broadcast %add3A_1186 : i32 to vector<16xi32>
      %eq3A_1188 = arith.cmpi eq, %iota3A_5, %eq3A_1187 : vector<16xi32>
      %broadcast_in_dim3A_1189 = vector.broadcast %reduce_sum3A_1166 : f32 to vector<16xf32>
      %select_n3A_1190 = arith.select %eq3A_1188, %broadcast_in_dim3A_1189, %select_n3A_1104 : vector<16xi1>, vector<16xf32>
      %mul3A_1191 = arith.constant 4 : i32
      %mul3A_1192 = arith.muli %add3A_932, %mul3A_1191 : i32
      %add3A_1193 = arith.constant 3 : i32
      %add3A_1194 = arith.addi %mul3A_1192, %add3A_1193 : i32
      %get3A_1195 = arith.index_cast %add3A_1194 : i32 to index
      %get3A_1196 = tpu.vector_load %arg7[%get3A_1195] {strides = array<i32>} : memref<528xi32, #tpu.memory_space<vmem>>, vector<16xi32>,
      %jit3A_1197 = arith.constant 0 : i32
      %broadcast_in_dim3A_1198 = vector.broadcast %jit3A_1197 : i32 to vector<16xi32>
      %select_n3A_1199 = arith.select %eq3A_4, %get3A_1196, %broadcast_in_dim3A_1198 : vector<16xi1>, vector<16xi32>
      %get3A_1200 = arith.index_cast %add3A_1194 : i32 to index
      %get3A_1201 = tpu.vector_load %arg8[%get3A_1200] {strides = array<i32>} : memref<528xi32, #tpu.memory_space<vmem>>, vector<16xi32>,
      %jit3A_1202 = arith.constant 0 : i32
      %broadcast_in_dim3A_1203 = vector.broadcast %jit3A_1202 : i32 to vector<16xi32>
      %select_n3A_1204 = arith.select %eq3A_4, %get3A_1201, %broadcast_in_dim3A_1203 : vector<16xi1>, vector<16xi32>
      %and3A_1205 = arith.constant 127 : i32
      %and3A_1206 = vector.broadcast %and3A_1205 : i32 to vector<16xi32>
      %and3A_1207 = arith.andi %select_n3A_1199, %and3A_1206 : vector<16xi32>
      %reduce_sum3A_1208 = arith.constant true
      %reduce_sum3A_1209 = vector.broadcast %reduce_sum3A_1208 : i1 to vector<16xi1>
      %reduce_sum3A_1210 = tpu.scan <sum>, %and3A_1207 masked %reduce_sum3A_1209 : vector<16xi32>, vector<16xi1> -> vector<16xi32>
      %reduce_sum3A_1211 = vector.extract %reduce_sum3A_1210[15] : i32 from vector<16xi32>
      %and3A_1212 = arith.constant 127 : i32
      %and3A_1213 = vector.broadcast %and3A_1212 : i32 to vector<16xi32>
      %and3A_1214 = arith.andi %select_n3A_1204, %and3A_1213 : vector<16xi32>
      %reduce_sum3A_1215 = arith.constant true
      %reduce_sum3A_1216 = vector.broadcast %reduce_sum3A_1215 : i1 to vector<16xi1>
      %reduce_sum3A_1217 = tpu.scan <sum>, %and3A_1214 masked %reduce_sum3A_1216 : vector<16xi32>, vector<16xi1> -> vector<16xi32>
      %reduce_sum3A_1218 = vector.extract %reduce_sum3A_1217[15] : i32 from vector<16xi32>
      %add3A_1219 = arith.constant 0 : i32
      %add3A_1220 = vector.broadcast %add3A_1219 : i32 to vector<16xi32>
      %add3A_1221 = arith.addi %select_n3A, %add3A_1220 : vector<16xi32>
      %broadcast_in_dim3A_1222 = arith.constant 896 : i32
      %broadcast_in_dim3A_1223 = vector.broadcast %broadcast_in_dim3A_1222 : i32 to vector<16xi32>
      %add3A_1224 = vector.broadcast %reduce_sum3A_1211 : i32 to vector<16xi32>
      %add3A_1225 = arith.addi %broadcast_in_dim3A_1223, %add3A_1224 : vector<16xi32>
      %broadcast_in_dim3A_1226 = arith.constant 896 : i32
      %broadcast_in_dim3A_1227 = vector.broadcast %broadcast_in_dim3A_1226 : i32 to vector<16xi32>
      %add3A_1228 = vector.broadcast %reduce_sum3A_1218 : i32 to vector<16xi32>
      %add3A_1229 = arith.addi %broadcast_in_dim3A_1227, %add3A_1228 : vector<16xi32>
      %gather3A_1230 = tpu.vector_load_idx %arg9[%add3A_1221, %select_n3A_49, %add3A_1225] : memref<4x8x1024xf32, #tpu.memory_space<vmem>>[vector<16xi32>, vector<16xi32>, vector<16xi32>], vector<16xf32>,
      %gather3A_1231 = tpu.vector_load_idx %arg10[%add3A_1221, %select_n3A_49, %add3A_1229] : memref<4x8x1024xf32, #tpu.memory_space<vmem>>[vector<16xi32>, vector<16xi32>, vector<16xi32>], vector<16xf32>,
      %mul3A_1232 = arith.mulf %gather3A_1230, %gather3A_1231 : vector<16xf32>
      %add3A_1233 = arith.addf %broadcast_in_dim3A_50, %mul3A_1232 : vector<16xf32>
      %add3A_1234 = arith.constant 2 : i32
      %add3A_1235 = vector.broadcast %add3A_1234 : i32 to vector<16xi32>
      %add3A_1236 = arith.addi %select_n3A, %add3A_1235 : vector<16xi32>
      %broadcast_in_dim3A_1237 = arith.constant 896 : i32
      %broadcast_in_dim3A_1238 = vector.broadcast %broadcast_in_dim3A_1237 : i32 to vector<16xi32>
      %add3A_1239 = vector.broadcast %reduce_sum3A_1211 : i32 to vector<16xi32>
      %add3A_1240 = arith.addi %broadcast_in_dim3A_1238, %add3A_1239 : vector<16xi32>
      %broadcast_in_dim3A_1241 = arith.constant 896 : i32
      %broadcast_in_dim3A_1242 = vector.broadcast %broadcast_in_dim3A_1241 : i32 to vector<16xi32>
      %add3A_1243 = vector.broadcast %reduce_sum3A_1218 : i32 to vector<16xi32>
      %add3A_1244 = arith.addi %broadcast_in_dim3A_1242, %add3A_1243 : vector<16xi32>
      %gather3A_1245 = tpu.vector_load_idx %arg9[%add3A_1236, %select_n3A_49, %add3A_1240] : memref<4x8x1024xf32, #tpu.memory_space<vmem>>[vector<16xi32>, vector<16xi32>, vector<16xi32>], vector<16xf32>,
      %gather3A_1246 = tpu.vector_load_idx %arg10[%add3A_1236, %select_n3A_49, %add3A_1244] : memref<4x8x1024xf32, #tpu.memory_space<vmem>>[vector<16xi32>, vector<16xi32>, vector<16xi32>], vector<16xf32>,
      %mul3A_1247 = arith.mulf %gather3A_1245, %gather3A_1246 : vector<16xf32>
      %add3A_1248 = arith.addf %add3A_1233, %mul3A_1247 : vector<16xf32>
      %reduce_sum3A_1249 = arith.constant true
      %reduce_sum3A_1250 = vector.broadcast %reduce_sum3A_1249 : i1 to vector<16xi1>
      %reduce_sum3A_1251 = tpu.scan <sum>, %add3A_1248 masked %reduce_sum3A_1250 : vector<16xf32>, vector<16xi1> -> vector<16xf32>
      %reduce_sum3A_1252 = vector.extract %reduce_sum3A_1251[15] : f32 from vector<16xf32>
      %jit3A_1253 = arith.constant 4 : i32
      %eq3A_1254 = arith.constant 0 : i32
      %eq3A_1255 = arith.cmpi eq, %jit3A_1253, %eq3A_1254 : i32
      %jit3A_1256 = arith.constant 1 : i32
      %select_n3A_1257 = arith.select %eq3A_1255, %jit3A_1256, %jit3A_1253 : i32
      %rem3A_1258 = arith.remsi %add3A_932, %select_n3A_1257 : i32
      %ne3A_1259 = arith.constant 0 : i32
      %ne3A_1260 = arith.cmpi ne, %rem3A_1258, %ne3A_1259 : i32
      %lt3A_1261 = arith.constant 0 : i32
      %lt3A_1262 = arith.cmpi slt, %rem3A_1258, %lt3A_1261 : i32
      %lt3A_1263 = arith.constant 0 : i32
      %lt3A_1264 = arith.cmpi slt, %select_n3A_1257, %lt3A_1263 : i32
      %ne3A_1265 = arith.xori %lt3A_1262, %lt3A_1264 : i1
      %and3A_1266 = arith.andi %ne3A_1265, %ne3A_1260 : i1
      %add3A_1267 = arith.addi %rem3A_1258, %select_n3A_1257 : i32
      %select_n3A_1268 = arith.select %and3A_1266, %add3A_1267, %rem3A_1258 : i32
      %mul3A_1269 = arith.constant 4 : i32
      %mul3A_1270 = arith.muli %select_n3A_1268, %mul3A_1269 : i32
      %add3A_1271 = arith.constant 3 : i32
      %add3A_1272 = arith.addi %mul3A_1270, %add3A_1271 : i32
      %eq3A_1273 = vector.broadcast %add3A_1272 : i32 to vector<16xi32>
      %eq3A_1274 = arith.cmpi eq, %iota3A_5, %eq3A_1273 : vector<16xi32>
      %broadcast_in_dim3A_1275 = vector.broadcast %reduce_sum3A_1252 : f32 to vector<16xf32>
      %select_n3A_1276 = arith.select %eq3A_1274, %broadcast_in_dim3A_1275, %select_n3A_1190 : vector<16xi1>, vector<16xf32>
      %jit3A_1277 = arith.constant 2 : i32
      %eq3A_1278 = arith.constant 0 : i32
      %eq3A_1279 = arith.cmpi eq, %jit3A_1277, %eq3A_1278 : i32
      %jit3A_1280 = arith.constant 1 : i32
      %select_n3A_1281 = arith.select %eq3A_1279, %jit3A_1280, %jit3A_1277 : i32
      %rem3A_1282 = arith.remsi %scan3A_274, %select_n3A_1281 : i32
      %ne3A_1283 = arith.constant 0 : i32
      %ne3A_1284 = arith.cmpi ne, %rem3A_1282, %ne3A_1283 : i32
      %lt3A_1285 = arith.constant 0 : i32
      %lt3A_1286 = arith.cmpi slt, %rem3A_1282, %lt3A_1285 : i32
      %lt3A_1287 = arith.constant 0 : i32
      %lt3A_1288 = arith.cmpi slt, %select_n3A_1281, %lt3A_1287 : i32
      %ne3A_1289 = arith.xori %lt3A_1286, %lt3A_1288 : i1
      %and3A_1290 = arith.andi %ne3A_1289, %ne3A_1284 : i1
      %add3A_1291 = arith.addi %rem3A_1282, %select_n3A_1281 : i32
      %select_n3A_1292 = arith.select %and3A_1290, %add3A_1291, %rem3A_1282 : i32
      %eq3A_1293 = arith.constant 1 : i32
      %eq3A_1294 = arith.cmpi eq, %select_n3A_1292, %eq3A_1293 : i32
      %convert_element_type3A_1295 = arith.extui %eq3A_1294 : i1 to i32
      %cond3A_1296 = arith.constant 0 : i32
      %cond3A_1297 = arith.cmpi ne, %convert_element_type3A_1295, %cond3A_1296 : i32
      scf.if %cond3A_1297 {
        %max3A = arith.constant 0.000000e+00 : f32
        %max3A_1298 = vector.broadcast %max3A : f32 to vector<16xf32>
        %max3A_1299 = arith.maximumf %select_n3A_1276, %max3A_1298 : vector<16xf32>
        %add3A_1300 = arith.constant 1 : i32
        %add3A_1301 = arith.addi %mul3A_277, %add3A_1300 : i32
        %jit3A_1302 = arith.constant 4 : i32
        %div3A_1303 = arith.divsi %add3A_1301, %jit3A_1302 : i32
        %sign3A_1304 = arith.constant 0 : i32
        %sign3A_1305 = arith.cmpi sgt, %add3A_1301, %sign3A_1304 : i32
        %sign3A_1306 = arith.extui %sign3A_1305 : i1 to i32
        %sign3A_1307 = arith.constant 0 : i32
        %sign3A_1308 = arith.cmpi slt, %add3A_1301, %sign3A_1307 : i32
        %sign3A_1309 = arith.extui %sign3A_1308 : i1 to i32
        %sign3A_1310 = arith.subi %sign3A_1306, %sign3A_1309 : i32
        %sign3A_1311 = arith.constant 0 : i32
        %sign3A_1312 = arith.cmpi sgt, %jit3A_1302, %sign3A_1311 : i32
        %sign3A_1313 = arith.extui %sign3A_1312 : i1 to i32
        %sign3A_1314 = arith.constant 0 : i32
        %sign3A_1315 = arith.cmpi slt, %jit3A_1302, %sign3A_1314 : i32
        %sign3A_1316 = arith.extui %sign3A_1315 : i1 to i32
        %sign3A_1317 = arith.subi %sign3A_1313, %sign3A_1316 : i32
        %ne3A_1318 = arith.cmpi ne, %sign3A_1310, %sign3A_1317 : i32
        %rem3A_1319 = arith.remsi %add3A_1301, %jit3A_1302 : i32
        %ne3A_1320 = arith.constant 0 : i32
        %ne3A_1321 = arith.cmpi ne, %rem3A_1319, %ne3A_1320 : i32
        %and3A_1322 = arith.andi %ne3A_1318, %ne3A_1321 : i1
        %sub3A_1323 = arith.constant 1 : i32
        %sub3A_1324 = arith.subi %div3A_1303, %sub3A_1323 : i32
        %select_n3A_1325 = arith.select %and3A_1322, %sub3A_1324, %div3A_1303 : i32
        %mul3A_1326 = arith.constant 16 : i32
        %mul3A_1327 = arith.muli %select_n3A_1325, %mul3A_1326 : i32
        %swap3A = arith.index_cast %mul3A_1327 : i32 to index
        %swap3A_1328 = tpu.vector_load %arg11[%swap3A] {strides = array<i32>} : memref<512xf32, #tpu.memory_space<vmem>>, vector<16xf32>,
        tpu.vector_store %arg11[%swap3A], %max3A_1299 {strides = array<i32>} : memref<512xf32, #tpu.memory_space<vmem>>, vector<16xf32>,
      } else {
      }
      scf.yield %select_n3A_1276 : vector<16xf32>
    }
    %scan3A_273 = arith.constant 64 : i32
    "tpu.region"() ({
      %run_scoped3A = tpu.sem_alloc : memref<!tpu.dma_semaphore, #tpu.memory_space<semaphore_mem>>
      %dma_start3A_274 = tpu.memref_slice %arg6[%mul3A_2] : memref<16384xf32, #tpu.memory_space<hbm>> -> memref<512xf32, #tpu.memory_space<hbm>>
      %dma_start3A_275 = tpu.memref_slice %arg6[%mul3A_2] : memref<16384xf32, #tpu.memory_space<hbm>> -> memref<512xf32, #tpu.memory_space<hbm>>
      tpu.enqueue_dma source(%arg11 : memref<512xf32, #tpu.memory_space<vmem>>) target(%dma_start3A_275 : memref<512xf32, #tpu.memory_space<hbm>>) target_semaphore(%run_scoped3A : memref<!tpu.dma_semaphore, #tpu.memory_space<semaphore_mem>>)
      %dma_wait3A = tpu.memref_slice %arg6[%mul3A_2] : memref<16384xf32, #tpu.memory_space<hbm>> -> memref<512xf32, #tpu.memory_space<hbm>>
      %dma_wait3A_276 = tpu.memref_slice %arg6[%mul3A_2] : memref<16384xf32, #tpu.memory_space<hbm>> -> memref<512xf32, #tpu.memory_space<hbm>>
      tpu.wait_dma2 semaphore(%run_scoped3A : memref<!tpu.dma_semaphore, #tpu.memory_space<semaphore_mem>>) src(%arg11 : memref<512xf32, #tpu.memory_space<vmem>>) dst(%dma_wait3A_276 : memref<512xf32, #tpu.memory_space<hbm>>)
      tpu.yield
    }) : () -> ()
    return
  }
}

</mosaic_0001>

<sc_bundles>
// kernel: kernel.3.cloned.1.call-start
scs
__scs_entry_jumppad:
0x0: {  	(pc) =	sbr.rel $0x88, $3  }
0x1: {  	(tag) =	ssettag $0x0;
	lr =	simm.s32 $0x1  }
0x2: {  	[smem:$0x3F9D] =	sst lr;
	_ =	strace $0xD0000000  }
0x3: {  	_ = 	snop  }
0x4: {  	_ = 	snop  }
0x5: {  	_ = 	snop  }
0x6: {  	_ = 	snop  }
0x7: {  	_ = 	snop  }
__scs_overlays_trampoline_lowered:
0x8: {  	[smem:$0x3FAC] =	sst s0  }
0x9: {  	[smem:$0x3FAD] =	sst s1  }
0xa: {  	[smem:$0x3FAE] =	sst s2  }
0xb: {  	[smem:$0x3FAF] =	sst s3  }
0xc: {  	[smem:$0x3FB0] =	sst s4  }
0xd: {  	[smem:$0x3FB1] =	sst s5  }
0xe: {  	[smem:$0x3FB2] =	sst s6  }
0xf: {  	[smem:$0x3FB3] =	sst s7  }
0x10: {  	[smem:$0x3FB4] =	sst s8  }
0x11: {  	[smem:$0x3FB5] =	sst s9;
	s0 =	simm.s32 @!p0 $0x0  }
0x12: {  	s1 =	sld [smem:$0x3F9B];
	s0 =	simm.s32 @p0 $0x1  }
0x13: {  	[smem:$0x3FB6] =	sst s0;
	s0 =	simm.s32 @!p1 $0x0  }
0x14: {  	s2 =	sld [smem:$0x3F9A];
	s0 =	simm.s32 @p1 $0x1  }
0x15: {  	[smem:$0x3FB7] =	sst s0;
	s0 =	simm.s32 @!p2 $0x0  }
0x16: {  	s3 =	sld [smem:$0x3FDB];
	s0 =	simm.s32 @p2 $0x1  }
0x17: {  	s4 =	simm.s32 $0x1BF5;
	[smem:$0x3FB9] =	sst s0  }
0x18: {  	s0 =	sld [smem:$0x3F9C];
	_ =	swait.ge [sflag:s4], $0x0  }
0x19: {  	s7 =	sld [smem:$0x3F9D]  }
0x1a: {  	s8 =	sadd.s32 $0xFFFFE003, lr  }
0x1b: {  	s9 =	sadd.s32 $0xFFFFFEF7, lr;
	s5 =	simm.s32 $0xFFFFFFFF;
	p2 =	slt.u32 s8, $0xFFFFF086  }
0x1c: {  	p1 =	slt.u32 s9, $0xF7A;
	s5 =	simm.s32 @!p2 $0x0  }
0x1d: {  	s5 =	simm.s32 @p1 $0x1;
	p0 =	seq.s32 s7, s2  }
0x1e: {  	s7 =	smul.u32 @!p0 $0xF7A, s2;
	p2 =	seq.s32 @!p0 s5, $0x0  }
0x1f: {  	s9 =	smul.u32 $0xF7A, s1;
	s8 =	simm.s32 @!p0 $0x1BF5;
	p2 =	por !p2, p0  }
0x20: {  	[sflag:s8] =	ssyncset.s32 @!p0 $0xFFFFF086;
	s6 =	sadd.s32 @!p0 s3, s7;
	s7 =	simm.s32 @!p0 $0x108  }
0x21: {  	s3 =	sadd.s32 s3, s9;
	s6 =	sadd.s32 @!p0 $0x88, s6;
	s7 =	simm.s32 @p2 $0x1082  }
0x22: {  	[simem:s7], [sflag:s8] =	dma.local @!p0 [hbm:s6], $0xF7A  }
0x23: {  	s9 =	sor.u32 $0xD0000000, s2;
	s6 =	simm.s32 $0x108;
	_ =	swait.ge @!p0 [sflag:s8], $0x0  }
0x24: {  	s3 =	sadd.s32 $0x88, s3;
	s6 =	simm.s32 @!p1 $0x1082;
	[sflag:s4] =	ssyncset.s32 $0xFFFFF086  }
0x25: {  	[simem:s6], [sflag:s4] =	dma.local [hbm:s3], $0xF7A  }
0x26: {  	[smem:$0x3F9D] =	sst s1;
	(tag) =	ssettag s2;
	_ =	strace s9  }
0x27: {  	s1 =	sld [smem:$0x3FAD]  }
0x28: {  	s2 =	sld [smem:$0x3FAE]  }
0x29: {  	s4 =	sld [smem:$0x3FB0]  }
0x2a: {  	p0 =	seq.s32 s5, $0x0;
	s5 =	sld [smem:$0x3FB1]  }
0x2b: {  	s6 =	sld [smem:$0x3FB2]  }
0x2c: {  	s7 =	sld [smem:$0x3FB3]  }
0x2d: {  	s3 =	simm.s32 $0x108;
	s8 =	sld [smem:$0x3FB4]  }
0x2e: {  	s3 =	simm.s32 @!p0 $0x1082;
	s9 =	sld [smem:$0x3FB5]  }
0x2f: {  	lr =	sadd.s32 s0, s3;
	s0 =	sld [smem:$0x3FAC]  }
0x30: {  	s3 =	sld [smem:$0x3FAF]  }
0x31: {  	[smem:$0x3FB8] =	sst s10  }
0x32: {  	s10 =	sld [smem:$0x3FB6];
	_ =	sdelay $0x3  }
0x33: {  	p0 =	seq.s32 s10, $0x1;
	s10 =	sld [smem:$0x3FB8];
	_ =	sdelay $0x3  }
0x34: {  	[smem:$0x3FB8] =	sst s10  }
0x35: {  	s10 =	sld [smem:$0x3FB7];
	_ =	sdelay $0x3  }
0x36: {  	p1 =	seq.s32 s10, $0x1;
	s10 =	sld [smem:$0x3FB8];
	_ =	sdelay $0x3  }
0x37: {  	[smem:$0x3FB8] =	sst s10  }
0x38: {  	s10 =	sld [smem:$0x3FB9]  }
0x39: {  	_ = 	snop;
	(pc) =	sbr.ind lr, $3  }
0x3a: {  	_ = 	snop  }
0x3b: {  	_ = 	snop  }
0x3c: {  	p2 =	seq.s32 s10, $0x1;
	s10 =	sld [smem:$0x3FB8]  }
0x3d: {  	_ =	shalt  }
0x3e: {  	_ =	shalt  }
0x3f: {  	_ =	shalt  }
0x40: {  	_ =	shalt  }
0x41: {  	_ =	shalt  }
0x42: {  	_ =	shalt  }
0x43: {  	_ =	shalt  }
0x44: {  	_ =	shalt  }
0x45: {  	_ =	shalt  }
0x46: {  	_ =	shalt  }
0x47: {  	_ =	shalt  }
0x48: {  	_ =	shalt  }
0x49: {  	_ =	shalt  }
0x4a: {  	_ =	shalt  }
0x4b: {  	_ =	shalt  }
0x4c: {  	_ =	shalt  }
0x4d: {  	_ =	shalt  }
0x4e: {  	_ =	shalt  }
0x4f: {  	_ =	shalt  }
0x50: {  	_ =	shalt  }
0x51: {  	_ =	shalt  }
0x52: {  	_ =	shalt  }
0x53: {  	_ =	shalt  }
0x54: {  	_ =	shalt  }
0x55: {  	_ =	shalt  }
0x56: {  	_ =	shalt  }
0x57: {  	_ =	shalt  }
0x58: {  	_ =	shalt  }
0x59: {  	_ =	shalt  }
0x5a: {  	_ =	shalt  }
0x5b: {  	_ =	shalt  }
0x5c: {  	_ =	shalt  }
0x5d: {  	_ =	shalt  }
0x5e: {  	_ =	shalt  }
0x5f: {  	_ =	shalt  }
0x60: {  	_ =	shalt  }
0x61: {  	_ =	shalt  }
0x62: {  	_ =	shalt  }
0x63: {  	_ =	shalt  }
0x64: {  	_ =	shalt  }
0x65: {  	_ =	shalt  }
0x66: {  	_ =	shalt  }
0x67: {  	_ =	shalt  }
0x68: {  	_ =	shalt  }
0x69: {  	_ =	shalt  }
0x6a: {  	_ =	shalt  }
0x6b: {  	_ =	shalt  }
0x6c: {  	_ =	shalt  }
0x6d: {  	_ =	shalt  }
0x6e: {  	_ =	shalt  }
0x6f: {  	_ =	shalt  }
0x70: {  	_ =	shalt  }
0x71: {  	_ =	shalt  }
0x72: {  	_ =	shalt  }
0x73: {  	_ =	shalt  }
0x74: {  	_ =	shalt  }
0x75: {  	_ =	shalt  }
0x76: {  	_ =	shalt  }
0x77: {  	_ =	shalt  }
0x78: {  	_ =	shalt  }
0x79: {  	_ =	shalt  }
0x7a: {  	_ =	shalt  }
0x7b: {  	_ =	shalt  }
0x7c: {  	_ =	shalt  }
0x7d: {  	_ =	shalt  }
0x7e: {  	_ =	shalt  }
0x7f: {  	_ =	shalt  }
0x80: {  	_ =	shalt  }
0x81: {  	_ =	shalt  }
0x82: {  	_ =	shalt  }
0x83: {  	_ =	shalt  }
0x84: {  	_ =	shalt  }
0x85: {  	_ =	shalt  }
0x86: {  	_ =	shalt  }
0x87: {  	_ =	shalt  }
.Lfunc_end0:
.L_simem_size_0:
called_computation_lowered:
.L_overlay_start_0:
0x88: {  	s2 =	sld [smem:$0x3FD9]  }
0x89: {  	s3 =	sld [smem:$0x3FFE];
	_ =	sdelay $0x1  }
0x8a: {  	s1 =	srdreg.scid  }
0x8b: {  	s0 =	sand.u32 $0x1, s1  }
0x8c: {  	s18 =	sshll.u32 s0, $0xA;
	s2 =	sadd.s32 s3, s2  }
0x8d: {  	s2 =	sadd.s32 s2, s18  }
0x8e: {  	[smem:$0x3FC4] =	sst s2  }
0x8f: {  	_ = 	snop  }
0x90: {  	s2 =	sld [smem:$0x3FC9]  }
0x91: {  	s19 =	sld [smem:$0x3FC8]  }
0x92: {  	s4 =	sld [smem:$0x3FC7]  }
0x93: {  	s5 =	sld [smem:$0x3FC6]  }
0x94: {  	s6 =	sld [smem:$0x3FD0];
	(tm) =	ssettm $0x1  }
0x95: {  	s7 =	sld [smem:$0x3FFB];
	_ =	sdelay $0x3  }
0x96: {  	_ =	strace s7  }
0x97: {  	s7 =	sld [smem:$0x3FFC];
	_ =	sdelay $0x3  }
0x98: {  	_ =	strace s7  }
0x99: {  	s7 =	sld [smem:$0x3FFD];
	_ =	sdelay $0x3  }
0x9a: {  	_ =	strace s7  }
0x9b: {  	_ =	strace $0x8FFFFFFF  }
0x9c: {  	s20 =	sld [smem:$0x3FDB];
	_ =	sdelay $0x1  }
0x9d: {  	s8 =	simm.s32 $_scs_section_size  }
0x9e: {  	s9 =	simm.s32 $_size__tile_overlayer_lowered;
	s10 =	simm.s32 $_tile_overlayer_lowered  }
0x9f: {  	s23 =	simm.s32 $0x1BFF;
	s22 =	sshll.u32 s10, $0x1;
	s7 =	sadd.s32 s8, s20  }
0xa0: {  	s11 =	simm.s32 $0x0;
	s21 =	sshll.u32 s9, $0x1;
	s9 =	sadd.s32 s22, s7  }
0xa1: {  	[timem:s11], [sflag:s23] =	dma.local [hbm:s9], s21  }
0xa2: {  	_ =	swait.ge [sflag:s23], s21  }
0xa3: {  	s8 =	ssub.s32 $0x0, s21;
	[sflag:s23] =	ssyncset.done $0x0  }
0xa4: {  	[sflag:s23] =	ssyncadd.s32 s8;
	_ =	sdelay $0x1  }
0xa5: {  	s24 =	simm.s32 $0x1B8B  }
0xa6: {  	_ =	swait.ge [sflag:s24], $0x1  }
0xa7: {  	[sflag:s24] =	ssyncset.done $0x0  }
0xa8: {  	s25 =	simm.s32 $0x1B8E;
	[sflag:s24] =	ssyncadd.s32 $0xFFFFFFFF  }
0xa9: {  	s26 =	simm.s32 $execute0_lowered;
	[smem:$0x3FD2] =	sst s25  }
0xaa: {  	s8 =	sshll.u32 s26, $0x1;
	_ =	strace $0x80000046;
	[dreg:$0x1] =	wrdreg $0xFFFFFFFF  }
0xab: {  	s28 =	simm.s32 $_size_execute0_lowered;
	s7 =	sadd.s32 s7, s8;
	[dreg:$0x0] =	wrdreg $0x0  }
0xac: {  	s8 =	sshll.u32 s28, $0x1;
	[dreg:$0x2] =	wrdreg s7  }
0xad: {  	[dreg:$0x3] =	wrdreg s8  }
0xae: {  	[dreg:$0x4] =	wrdreg $0xC0  }
0xaf: {  	_ =	task [dreg:s11], $0x5FFFF  }
0xb0: {  	[dreg:$0x1] =	wrdreg $0xFFFFFFFF  }
0xb1: {  	[dreg:$0x0] =	wrdreg $0x60  }
0xb2: {  	[dreg:$0x2] =	wrdreg s2  }
0xb3: {  	[dreg:$0x3] =	wrdreg s19  }
0xb4: {  	[dreg:$0x4] =	wrdreg s4  }
0xb5: {  	[dreg:$0x5] =	wrdreg s5  }
0xb6: {  	[dreg:$0x6] =	wrdreg s6  }
0xb7: {  	[dreg:$0x7] =	wrdreg $0x9  }
0xb8: {  	_ =	task.clear_ibuf [dreg:s11], $0x8FFFF;
	_ =	strace $0x90000046  }
0xb9: {  	s29 =	simm.s32 $0x9;
	_ =	strace $0x80000048  }
0xba: {  	_ =	swait.ge [sflag:s29], $0x1  }
0xbb: {  	[sflag:s29] =	ssyncadd.s32 $0xFFFFFFFF  }
0xbc: {  	_ =	strace $0x90000048  }
0xbd: {  	_ =	sfence  }
0xbe: {  	s30 =	sld [smem:$0x0];
	_ =	sdelay $0x2  }
0xbf: {  	s31 =	sshll.u32 s1, $0xD;
	s1 =	sshrl.u32 s1, $0x2  }
0xc0: {  	s3 =	sand.u32 $0x4000, s31;
	s1 =	sadd.s32 s1, s30  }
0xc1: {  	s0 =	sor.u32 s3, s0;
	s1 =	sshll.u32 s1, $0x11  }
0xc2: {  	s0 =	sor.u32 s1, s0  }
0xc3: {  	s0 =	sadd.s32 $0x8F2B, s0  }
0xc4: {  	[sflag:s0] =	ssyncadd.remote.s32 $0x1  }
0xc5: {  	_ =	sfence.sel $0xFFFF  }
0xc6: {  	[dreg:$0x0] =	wrdreg $0xFFFFFFFF;
	(pc) =	sbr.abs _section_cstart, $3  }
0xc7: {  	[dreg:$0x1] =	wrdreg $0xFFFFFFFF  }
0xc8: {  	_ =	task.clear_ibuf [dreg:s11], $0x2FFFF;
	_ =	strace $0x9FFFFFFF  }
0xc9: {  	(tm) =	ssettm $0x7FFFFFFF  }
tec
execute0_lowered:
.L_overlay_start_1:
0x0: {  	(tag) =	ssettag $0x1  }
0x1: {  	s0 =	rddreg [dreg:$0x0]  }
0x2: {  	s3 =	rddreg [dreg:$0x1]  }
0x3: {  	s1 =	rddreg [dreg:$0x2];
	vm0 =	vmmov $0x1  }
0x4: {  	s2 =	rddreg [dreg:$0x3];
	v0 =	vimm.s32 $0x2380;
	vm1 =	vcmask $0x300;
	v1 =	vimm.s32 $0x6380  }
0x5: {  	s5 =	rddreg [dreg:$0x4];
	s6 =	srdreg.scid;
	s4 =	simm.s32 $0x0;
	vm2 =	vcmask $0x704;
	v0 =	vsel vm1, $0x0, v0;
	v1 =	vsel vm1, $0x4000, v1  }
0x6: {  	s8 =	stileid.u32;
	s11 =	simm.s32 $0x500;
	s15 =	simm.s32 $0x8500;
	vm1 =	vcmask $0xB08;
	v0 =	vsel vm2, $0x80, v0;
	v1 =	vsel vm2, $0x4080, v1  }
0x7: {  	s10 =	simm.s32 $0x1500;
	s12 =	simm.s32 $0xDD00;
	s13 =	simm.s32 $0xFD00;
	vm2 =	vcmask $0xF0C;
	v0 =	vsel vm1, $0x100, v0;
	v1 =	vsel vm1, $0x4100, v1  }
0x8: {  	s14 =	simm.s32 $0x2100;
	s16 =	simm.s32 $0x4100;
	s17 =	simm.s32 $0x6100;
	vm1 =	vcmask $0x1310;
	v0 =	vsel vm2, $0x180, v0;
	v1 =	vsel vm2, $0x4180, v1  }
0x9: {  	s18 =	simm.s32 $0x8100;
	s19 =	simm.s32 $0xA100;
	s20 =	simm.s32 $0xC100;
	vm2 =	vcmask $0x1714;
	v0 =	vsel vm1, $0x200, v0;
	v1 =	vsel vm1, $0x4200, v1  }
0xa: {  	s21 =	simm.s32 $0xE100;
	s22 =	simm.s32 $0x10100;
	s23 =	simm.s32 $0x1;
	vm1 =	vcmask $0x1B18;
	v0 =	vsel vm2, $0x280, v0;
	v1 =	vsel vm2, $0x4280, v1  }
0xb: {  	s24 =	simm.s32 $0x2;
	s25 =	simm.s32 $0x3;
	s26 =	simm.s32 $0x4;
	vm2 =	vcmask $0x1F1C;
	v0 =	vsel vm1, $0x300, v0;
	v1 =	vsel vm1, $0x4300, v1  }
0xc: {  	s6 =	sand.u32 $0x1, s6;
	s8 =	sshll.u32 s8, $0x7;
	[smem:$0x7FF] =	sst s4;
	vm1 =	vcmask $0x2320;
	v0 =	vsel vm2, $0x380, v0;
	v1 =	vsel vm2, $0x4380, v1  }
0xd: {  	s7 =	ssub.s32 $0x2, s6;
	s6 =	sshll.u32 s6, $0x6;
	_ =	strace $0x80000047;
	vm2 =	vcmask $0x2724;
	v0 =	vsel vm1, $0x2000, v0;
	v1 =	vsel vm1, $0x6000, v1  }
0xe: {  	s9 =	sshrl.u32 s7, $0x1;
	s6 =	sor.u32 s6, s8;
	s8 =	simm.s32 $0x9D00;
	vm1 =	vcmask $0x2B28;
	v0 =	vsel vm2, $0x2080, v0;
	v1 =	vsel vm2, $0x6080, v1  }
.Ltmp0:
0xf: {  	s7 =	ssub.s32 s7, s9;
	s0 =	sadd.s32 s0, s6;
	vm2 =	vcmask $0x2F2C;
	v0 =	vsel vm1, $0x2100, v0;
	v1 =	vsel vm1, $0x6100, v1;
	(pc) =	sbr.rel .LBB2_1-.Ltmp0, $4  }
0x10: {  	s29 =	sadd.s32 s3, s6;
	s30 =	sadd.s32 s5, s6;
	[dreg:$0x6] =	wrdreg s0;
	vm1 =	vcmask $0x3330;
	v0 =	vsel vm2, $0x2180, v0;
	v1 =	vsel vm2, $0x6180, v1  }
0x11: {  	s3 =	simm.s32 $0x5;
	s6 =	simm.s32 $0x5D00;
	[dreg:$0x7] =	wrdreg s29;
	vm2 =	vcmask $0x3734;
	v0 =	vsel vm1, $0x2200, v0;
	v1 =	vsel vm1, $0x6200, v1  }
0x12: {  	s9 =	simm.s32 $0xBD00;
	[dreg:$0x8] =	wrdreg s30;
	s31 =	smax.u32 s7, $0x1;
	vm1 =	vcmask $0x3B38;
	v0 =	vsel vm2, $0x2280, v0;
	v1 =	vsel vm2, $0x6280, v1  }
0x13: {  	v2 =	vlaneseq.u32;
	s5 =	simm.s32 $0x0;
	s7 =	simm.s32 $0x7D00;
	[dreg:$0x9] =	wrdreg s31;
	v0 =	vsel vm1, $0x2300, v0;
	v1 =	vsel vm1, $0x6300, v1  }
.LBB2_5:
0x14: {  	s0 =	rddreg [dreg:$0x8];
	s3 =	simm.s32 $0x10500  }
0x15: {  	[hbm4b:s0+s4] =	stream.linear.scatter [tilespmem:s3], [sflag:$0x5], $0x200, $0x38;
	[tilespmem:$0x10700] =	vst v63  }
0x16: {  	s3 =	simm.s32 $0x5  }
0x17: {  	_ =	swait.ge [sflag:s3], $0x200  }
0x18: {  	s5 =	rddreg [dreg:$0xa]  }
0x19: {  	s31 =	rddreg [dreg:$0x9];
	s5 =	sadd.s32 $0x1, s5  }
0x1a: {  	p0 =	sne.s32 s5, s31  }
.Ltmp1:
0x1b: {  	_ = 	snop;
	(pc) =	sbr.rel @!p0 .LBB2_6-.Ltmp1, $3  }
0x1c: {  	_ =	sdelay $0x1  }
0x1d: {  	[sflag:s3] =	ssyncset.done $0x0  }
0x1e: {  	[sflag:s3] =	ssyncadd.s32 $0xFFFFFE00  }
.LBB2_1:
0x1f: {  	[dreg:$0xa] =	wrdreg s5  }
0x20: {  	s0 =	rddreg [dreg:$0x6]  }
0x21: {  	[tilespmem:s4], [sflag:$0x5] =	stream.linear.gather [hbm4b:s0+s4], $0x200, $0x38;
	[tilespmem:$0x10700] =	vst v63  }
0x22: {  	_ =	swait.ge [sflag:s3], $0x200  }
0x23: {  	[sflag:s3] =	ssyncset.done $0x0  }
0x24: {  	s28 =	simm.s32 $0x280;
	s31 =	rddreg [dreg:$0x7];
	[sflag:s3] =	ssyncadd.s32 $0xFFFFFE00  }
0x25: {  	[tilespmem:s28], [sflag:$0x5] =	stream.linear.gather [hbm4b:s31+s4], $0x200, $0x38;
	[tilespmem:$0x10700] =	vst v63  }
0x26: {  	_ =	swait.ge [sflag:s3], $0x200  }
0x27: {  	[sflag:s3] =	ssyncset.done $0x0  }
0x28: {  	[sflag:s3] =	ssyncadd.s32 $0xFFFFFE00  }
0x29: {  	v3 =	vld [tilespmem:$0x0];
	_ =	sdelay $0x4  }
0x2a: {  	v3 =	vnsel vm0, $0x0, v3  }
0x2b: {  	(xrf0) =	vadd.scan.msk.s32 $0xffff, v3;
	_ =	sdelay $0x3  }
0x2c: {  	v3 =	vld [tilespmem:$0x280];
	_ =	sdelay $0x1  }
0x2d: {  	v4, _, _ =	vpop (xrf0)  }
0x2e: {  	(v2sf) =	vpush v4, $0xF;
	_ =	sdelay $0x1  }
0x2f: {  	v3 =	vnsel vm0, $0x0, v3  }
0x30: {  	(xrf0) =	vadd.scan.msk.s32 $0xffff, v3;
	_ =	sdelay $0x5  }
0x31: {  	v3, _, _ =	vpop (xrf0)  }
0x32: {  	(v2sf) =	vpush v3, $0xF;
	_ =	sdelay $0x4  }
0x33: {  	s28 =	spop (v2sf)  }
0x34: {  	s28 =	sand.u32 $0xFFFFF80, s28  }
0x35: {  	s28 =	sadd.s32 s1, s28  }
0x36: {  	[tilespmem:s11], [sflag:$0x1] =	stream.linear.gather [hbm4b:s28+s4], $0x400, $0x38;
	[tilespmem:$0x10700] =	vst v63  }
0x37: {  	s3 =	simm.s32 $0x2500;
	s29 =	sadd.s32 $0xF4280, s28  }
0x38: {  	[tilespmem:s3], [sflag:$0x1] =	stream.linear.gather [hbm4b:s29+s4], $0x400, $0x38;
	[tilespmem:$0x10700] =	vst v63  }
0x39: {  	s5 =	simm.s32 $0x4500;
	s29 =	sadd.s32 $0x1E8500, s28  }
0x3a: {  	[tilespmem:s5], [sflag:$0x1] =	stream.linear.gather [hbm4b:s29+s4], $0x400, $0x38;
	[tilespmem:$0x10700] =	vst v63  }
0x3b: {  	s31 =	simm.s32 $0x6500;
	s28 =	sadd.s32 $0x2DC780, s28  }
0x3c: {  	[tilespmem:s31], [sflag:$0x1] =	stream.linear.gather [hbm4b:s28+s4], $0x400, $0x38;
	[tilespmem:$0x10700] =	vst v63  }
0x3d: {  	s28 =	spop (v2sf)  }
0x3e: {  	s28 =	sand.u32 $0xFFFFF80, s28  }
0x3f: {  	s28 =	sadd.s32 s2, s28  }
0x40: {  	[tilespmem:s15], [sflag:$0x2] =	stream.linear.gather [hbm4b:s28+s4], $0x400, $0x38;
	[tilespmem:$0x10700] =	vst v63  }
0x41: {  	s3 =	simm.s32 $0xA500;
	s29 =	sadd.s32 $0xF4280, s28  }
0x42: {  	[tilespmem:s3], [sflag:$0x2] =	stream.linear.gather [hbm4b:s29+s4], $0x400, $0x38;
	[tilespmem:$0x10700] =	vst v63  }
0x43: {  	s5 =	simm.s32 $0xC500;
	s29 =	sadd.s32 $0x1E8500, s28  }
0x44: {  	[tilespmem:s5], [sflag:$0x2] =	stream.linear.gather [hbm4b:s29+s4], $0x400, $0x38;
	[tilespmem:$0x10700] =	vst v63  }
0x45: {  	s31 =	simm.s32 $0xE500;
	s28 =	sadd.s32 $0x2DC780, s28  }
0x46: {  	[tilespmem:s31], [sflag:$0x2] =	stream.linear.gather [hbm4b:s28+s4], $0x400, $0x38;
	[tilespmem:$0x10700] =	vst v63  }
0x47: {  	v3 =	vld [tilespmem:$0x1];
	_ =	sdelay $0x4  }
0x48: {  	v3 =	vnsel vm0, $0x0, v3  }
0x49: {  	(xrf0) =	vadd.scan.msk.s32 $0xffff, v3;
	_ =	sdelay $0x3  }
0x4a: {  	v3 =	vld [tilespmem:$0x281];
	_ =	sdelay $0x1  }
0x4b: {  	v4, _, _ =	vpop (xrf0)  }
0x4c: {  	(v2sf) =	vpush v4, $0xF;
	_ =	sdelay $0x1  }
0x4d: {  	v3 =	vnsel vm0, $0x0, v3  }
0x4e: {  	(xrf0) =	vadd.scan.msk.s32 $0xffff, v3;
	_ =	sdelay $0x5  }
0x4f: {  	v3, _, _ =	vpop (xrf0)  }
0x50: {  	(v2sf) =	vpush v3, $0xF;
	_ =	sdelay $0x4  }
0x51: {  	s28 =	spop (v2sf)  }
0x52: {  	s28 =	sand.u32 $0xFFFFF80, s28  }
0x53: {  	s3 =	simm.s32 $0x900;
	s28 =	sadd.s32 s1, s28  }
0x54: {  	[tilespmem:s3], [sflag:$0x1] =	stream.linear.gather [hbm4b:s28+s4], $0x400, $0x38;
	[tilespmem:$0x10700] =	vst v63  }
0x55: {  	s5 =	simm.s32 $0x2900;
	s29 =	sadd.s32 $0xF4280, s28  }
0x56: {  	[tilespmem:s5], [sflag:$0x1] =	stream.linear.gather [hbm4b:s29+s4], $0x400, $0x38;
	[tilespmem:$0x10700] =	vst v63  }
0x57: {  	s31 =	simm.s32 $0x4900;
	s29 =	sadd.s32 $0x1E8500, s28  }
0x58: {  	[tilespmem:s31], [sflag:$0x1] =	stream.linear.gather [hbm4b:s29+s4], $0x400, $0x38;
	[tilespmem:$0x10700] =	vst v63  }
0x59: {  	s3 =	simm.s32 $0x6900;
	s28 =	sadd.s32 $0x2DC780, s28  }
0x5a: {  	[tilespmem:s3], [sflag:$0x1] =	stream.linear.gather [hbm4b:s28+s4], $0x400, $0x38;
	[tilespmem:$0x10700] =	vst v63  }
0x5b: {  	s28 =	spop (v2sf)  }
0x5c: {  	s28 =	sand.u32 $0xFFFFF80, s28  }
0x5d: {  	s5 =	simm.s32 $0x8900;
	s28 =	sadd.s32 s2, s28  }
0x5e: {  	[tilespmem:s5], [sflag:$0x2] =	stream.linear.gather [hbm4b:s28+s4], $0x400, $0x38;
	[tilespmem:$0x10700] =	vst v63  }
0x5f: {  	s31 =	simm.s32 $0xA900;
	s29 =	sadd.s32 $0xF4280, s28  }
0x60: {  	[tilespmem:s31], [sflag:$0x2] =	stream.linear.gather [hbm4b:s29+s4], $0x400, $0x38;
	[tilespmem:$0x10700] =	vst v63  }
0x61: {  	s3 =	simm.s32 $0xC900;
	s29 =	sadd.s32 $0x1E8500, s28  }
0x62: {  	[tilespmem:s3], [sflag:$0x2] =	stream.linear.gather [hbm4b:s29+s4], $0x400, $0x38;
	[tilespmem:$0x10700] =	vst v63  }
0x63: {  	s5 =	simm.s32 $0xE900;
	s28 =	sadd.s32 $0x2DC780, s28  }
0x64: {  	[tilespmem:s5], [sflag:$0x2] =	stream.linear.gather [hbm4b:s28+s4], $0x400, $0x38;
	[tilespmem:$0x10700] =	vst v63  }
0x65: {  	v3 =	vld [tilespmem:$0x2];
	_ =	sdelay $0x4  }
0x66: {  	v3 =	vnsel vm0, $0x0, v3  }
0x67: {  	(xrf0) =	vadd.scan.msk.s32 $0xffff, v3;
	_ =	sdelay $0x3  }
0x68: {  	v3 =	vld [tilespmem:$0x282];
	_ =	sdelay $0x1  }
0x69: {  	v4, _, _ =	vpop (xrf0)  }
0x6a: {  	(v2sf) =	vpush v4, $0xF;
	_ =	sdelay $0x1  }
0x6b: {  	v3 =	vnsel vm0, $0x0, v3  }
0x6c: {  	(xrf0) =	vadd.scan.msk.s32 $0xffff, v3;
	_ =	sdelay $0x5  }
0x6d: {  	v3, _, _ =	vpop (xrf0)  }
0x6e: {  	(v2sf) =	vpush v3, $0xF;
	_ =	sdelay $0x4  }
0x6f: {  	s28 =	spop (v2sf)  }
0x70: {  	s28 =	sand.u32 $0xFFFFF80, s28  }
0x71: {  	s31 =	simm.s32 $0xD00;
	s28 =	sadd.s32 s1, s28  }
0x72: {  	[tilespmem:s31], [sflag:$0x1] =	stream.linear.gather [hbm4b:s28+s4], $0x400, $0x38;
	[tilespmem:$0x10700] =	vst v63  }
0x73: {  	s3 =	simm.s32 $0x2D00;
	s29 =	sadd.s32 $0xF4280, s28  }
0x74: {  	[tilespmem:s3], [sflag:$0x1] =	stream.linear.gather [hbm4b:s29+s4], $0x400, $0x38;
	[tilespmem:$0x10700] =	vst v63  }
0x75: {  	s5 =	simm.s32 $0x4D00;
	s29 =	sadd.s32 $0x1E8500, s28  }
0x76: {  	[tilespmem:s5], [sflag:$0x1] =	stream.linear.gather [hbm4b:s29+s4], $0x400, $0x38;
	[tilespmem:$0x10700] =	vst v63  }
0x77: {  	s31 =	simm.s32 $0x6D00;
	s28 =	sadd.s32 $0x2DC780, s28  }
0x78: {  	[tilespmem:s31], [sflag:$0x1] =	stream.linear.gather [hbm4b:s28+s4], $0x400, $0x38;
	[tilespmem:$0x10700] =	vst v63  }
0x79: {  	s28 =	spop (v2sf)  }
0x7a: {  	s28 =	sand.u32 $0xFFFFF80, s28  }
0x7b: {  	s3 =	simm.s32 $0x8D00;
	s28 =	sadd.s32 s2, s28  }
0x7c: {  	[tilespmem:s3], [sflag:$0x2] =	stream.linear.gather [hbm4b:s28+s4], $0x400, $0x38;
	[tilespmem:$0x10700] =	vst v63  }
0x7d: {  	s5 =	simm.s32 $0xAD00;
	s29 =	sadd.s32 $0xF4280, s28  }
0x7e: {  	[tilespmem:s5], [sflag:$0x2] =	stream.linear.gather [hbm4b:s29+s4], $0x400, $0x38;
	[tilespmem:$0x10700] =	vst v63  }
0x7f: {  	s31 =	simm.s32 $0xCD00;
	s29 =	sadd.s32 $0x1E8500, s28  }
0x80: {  	[tilespmem:s31], [sflag:$0x2] =	stream.linear.gather [hbm4b:s29+s4], $0x400, $0x38;
	[tilespmem:$0x10700] =	vst v63  }
0x81: {  	s3 =	simm.s32 $0xED00;
	s28 =	sadd.s32 $0x2DC780, s28  }
0x82: {  	[tilespmem:s3], [sflag:$0x2] =	stream.linear.gather [hbm4b:s28+s4], $0x400, $0x38;
	[tilespmem:$0x10700] =	vst v63  }
0x83: {  	v3 =	vld [tilespmem:$0x3];
	_ =	sdelay $0x4  }
0x84: {  	v3 =	vnsel vm0, $0x0, v3  }
0x85: {  	(xrf0) =	vadd.scan.msk.s32 $0xffff, v3;
	_ =	sdelay $0x3  }
0x86: {  	v3 =	vld [tilespmem:$0x283];
	_ =	sdelay $0x1  }
0x87: {  	v4, _, _ =	vpop (xrf0)  }
0x88: {  	(v2sf) =	vpush v4, $0xF;
	_ =	sdelay $0x1  }
0x89: {  	v3 =	vnsel vm0, $0x0, v3  }
0x8a: {  	(xrf0) =	vadd.scan.msk.s32 $0xffff, v3;
	_ =	sdelay $0x5  }
0x8b: {  	v3, _, _ =	vpop (xrf0)  }
0x8c: {  	(v2sf) =	vpush v3, $0xF;
	_ =	sdelay $0x4  }
0x8d: {  	s28 =	spop (v2sf)  }
0x8e: {  	s28 =	sand.u32 $0xFFFFF80, s28  }
0x8f: {  	s5 =	simm.s32 $0x1100;
	s28 =	sadd.s32 s1, s28  }
0x90: {  	[tilespmem:s5], [sflag:$0x1] =	stream.linear.gather [hbm4b:s28+s4], $0x400, $0x38;
	[tilespmem:$0x10700] =	vst v63  }
0x91: {  	s31 =	simm.s32 $0x3100;
	s29 =	sadd.s32 $0xF4280, s28  }
0x92: {  	[tilespmem:s31], [sflag:$0x1] =	stream.linear.gather [hbm4b:s29+s4], $0x400, $0x38;
	[tilespmem:$0x10700] =	vst v63  }
0x93: {  	s3 =	simm.s32 $0x5100;
	s29 =	sadd.s32 $0x1E8500, s28  }
0x94: {  	[tilespmem:s3], [sflag:$0x1] =	stream.linear.gather [hbm4b:s29+s4], $0x400, $0x38;
	[tilespmem:$0x10700] =	vst v63  }
0x95: {  	s5 =	simm.s32 $0x7100;
	s28 =	sadd.s32 $0x2DC780, s28  }
0x96: {  	[tilespmem:s5], [sflag:$0x1] =	stream.linear.gather [hbm4b:s28+s4], $0x400, $0x38;
	[tilespmem:$0x10700] =	vst v63  }
0x97: {  	s28 =	spop (v2sf)  }
0x98: {  	s28 =	sand.u32 $0xFFFFF80, s28  }
0x99: {  	s31 =	simm.s32 $0x9100;
	s28 =	sadd.s32 s2, s28  }
0x9a: {  	[tilespmem:s31], [sflag:$0x2] =	stream.linear.gather [hbm4b:s28+s4], $0x400, $0x38;
	[tilespmem:$0x10700] =	vst v63  }
0x9b: {  	s3 =	simm.s32 $0xB100;
	s29 =	sadd.s32 $0xF4280, s28  }
0x9c: {  	[tilespmem:s3], [sflag:$0x2] =	stream.linear.gather [hbm4b:s29+s4], $0x400, $0x38;
	[tilespmem:$0x10700] =	vst v63  }
.Ltmp2:
0x9d: {  	s5 =	simm.s32 $0xD100;
	s29 =	sadd.s32 $0x1E8500, s28;
	(pc) =	sbr.rel .LBB2_2-.Ltmp2, $4  }
0x9e: {  	[tilespmem:s5], [sflag:$0x2] =	stream.linear.gather [hbm4b:s29+s4], $0x400, $0x38;
	[tilespmem:$0x10700] =	vst v63  }
0x9f: {  	s31 =	simm.s32 $0xF100;
	s28 =	sadd.s32 $0x2DC780, s28  }
0xa0: {  	[tilespmem:s31], [sflag:$0x2] =	stream.linear.gather [hbm4b:s28+s4], $0x400, $0x38;
	[tilespmem:$0x10700] =	vst v63  }
0xa1: {  	s30 =	simm.s32 $0x0;
	v3 =	vimm.f32 $0.0e+00;
	s29 =	simm.s32 $0x0;
	s28 =	simm.s32 $0x4  }
.LBB2_4:
0xa2: {  	_ =	swait.ge [sflag:s25], $0x4000  }
0xa3: {  	[sflag:s25] =	ssyncset.done $0x0  }
0xa4: {  	[sflag:s25] =	ssyncadd.s32 $0xFFFFC000  }
0xa5: {  	_ =	swait.ge [sflag:s26], $0x4000  }
0xa6: {  	[sflag:s26] =	ssyncset.done $0x0  }
0xa7: {  	[sflag:s26] =	ssyncadd.s32 $0xFFFFC000  }
0xa8: {  	v8 =	vld [tilespmem:s31+$0x4]  }
0xa9: {  	v9 =	vld [tilespmem:s31+$0x284];
	_ =	sdelay $0x3  }
0xaa: {  	v8 =	vnsel vm0, $0x0, v8  }
0xab: {  	v27 =	vld [tilespmem:s31+$0x5];
	v9 =	vnsel vm0, $0x0, v9;
	v8 =	vand.u32 $0x7F, v8  }
0xac: {  	v28 =	vld [tilespmem:s31+$0x285];
	v26 =	vand.u32 $0x7F, v9;
	(xrf0) =	vadd.scan.msk.s32 $0xffff, v8  }
0xad: {  	v10 =	vld [tilespmem:s31+$0x6];
	(xrf0) =	vadd.scan.msk.s32 $0xffff, v26  }
0xae: {  	v14 =	vld [tilespmem:s31+$0x7]  }
0xaf: {  	v29 =	vld [tilespmem:s31+$0x286]  }
0xb0: {  	v9 =	vnsel vm0, $0x0, v27  }
0xb1: {  	v32 =	vld [tilespmem:s31+$0x287];
	v8 =	vnsel vm0, $0x0, v28;
	v9 =	vand.u32 $0x7F, v9  }
0xb2: {  	v10 =	vnsel vm0, $0x0, v10;
	v8 =	vand.u32 $0x7F, v8;
	v11, _, _ =	vpop (xrf0);
	(xrf0) =	vadd.scan.msk.s32 $0xffff, v9  }
0xb3: {  	v14 =	vnsel vm0, $0x0, v14;
	v10 =	vand.u32 $0x7F, v10;
	v12, _, _ =	vpop (xrf0);
	v11 =	vadd.s32 $0x200, v11;
	(xrf0) =	vadd.scan.msk.s32 $0xffff, v8  }
0xb4: {  	v9 =	vnsel vm0, $0x0, v29;
	v11 =	vbroadcast v11, $0xF;
	v12 =	vadd.s32 $0x200, v12  }
0xb5: {  	v14 =	vand.u32 $0x7F, v14;
	v9 =	vand.u32 $0x7F, v9;
	(xrf0) =	vadd.scan.msk.s32 $0xffff, v10;
	v30 =	vbroadcast v12, $0xF  }
0xb6: {  	v10 =	vnsel vm0, $0x0, v32;
	v31 =	vand.u32 $0x7F, v11;
	v11 =	vshll.u32 v11, $0x3  }
0xb7: {  	v10 =	vand.u32 $0x7F, v10;
	v11 =	vand.u32 $0xFFFFFC00, v11;
	v13 =	vshll.u32 v30, $0x3  }
0xb8: {  	v8 =	vand.u32 $0x7F, v30;
	v13 =	vand.u32 $0xFFFFFC00, v13;
	v11 =	vor.u32 v31, v11;
	v33, _, _ =	vpop (xrf0);
	(xrf0) =	vadd.scan.msk.s32 $0xffff, v9  }
0xb9: {  	v8 =	vor.u32 v8, v13;
	v34 =	vadd.s32 v0, v11;
	v16, _, _ =	vpop (xrf0);
	v12 =	vadd.s32 $0x280, v33  }
0xba: {  	v35 =	vadd.s32 v1, v11;
	(xrf0) =	vadd.scan.msk.s32 $0xffff, v14;
	v36 =	vbroadcast v12, $0xF;
	v37 =	vadd.s32 $0x280, v16  }
0xbb: {  	v15 =	vadd.s32 v0, v8;
	v8 =	vadd.s32 v1, v8;
	v17, _, _ =	vpop (xrf0);
	v12 =	vbroadcast v37, $0xF  }
0xbc: {  	(xrf0) =	vadd.scan.msk.s32 $0xffff, v10;
	v40 =	vadd.s32 $0x300, v17;
	v38 =	vshll.u32 v36, $0x3;
	v11 =	vand.u32 $0x7F, v36  }
0xbd: {  	v16 =	vand.u32 $0xFFFFFC00, v38;
	v39 =	vshll.u32 v12, $0x3;
	v12 =	vand.u32 $0x7F, v12  }
0xbe: {  	v11 =	vor.u32 v11, v16;
	v41, _, _ =	vpop (xrf0);
	v14 =	vand.u32 $0xFFFFFC00, v39;
	v16 =	vbroadcast v40, $0xF  }
0xbf: {  	v42 =	vadd.s32 v0, v11;
	v12 =	vor.u32 v12, v14;
	v10 =	vadd.s32 $0x300, v41  }
0xc0: {  	v11 =	vadd.s32 v1, v11;
	v19, _, _ =	vpop (xrf0);
	v14 =	vadd.s32 v0, v12;
	v10 =	vbroadcast v10, $0xF  }
0xc1: {  	v18 =	vshll.u32 v16, $0x3;
	v16 =	vand.u32 $0x7F, v16;
	v19 =	vadd.s32 $0x380, v19  }
0xc2: {  	v13 =	vld.idx.msk [tilespmem:v34+s11+$0x0], $0xffff;
	v12 =	vadd.s32 v1, v12;
	v20, _, _ =	vpop (xrf0);
	v18 =	vand.u32 $0xFFFFFC00, v18;
	v44 =	vbroadcast v19, $0xF  }
0xc3: {  	v9 =	vld.idx.msk [tilespmem:v35+s11+$0x0], $0xffff;
	v45 =	vadd.s32 $0x380, v20;
	v16 =	vor.u32 v16, v18;
	v43 =	vshll.u32 v10, $0x3  }
0xc4: {  	v15 =	vld.idx.msk [tilespmem:v15+s15+$0x0], $0xffff;
	v10 =	vand.u32 $0x7F, v10;
	v19 =	vbroadcast v45, $0xF;
	v18 =	vand.u32 $0xFFFFFC00, v43  }
0xc5: {  	v8 =	vld.idx.msk [tilespmem:v8+s15+$0x0], $0xffff;
	v46 =	vadd.s32 v0, v16;
	v16 =	vadd.s32 v1, v16;
	v22 =	vshll.u32 v44, $0x3  }
0xc6: {  	v10 =	vor.u32 v10, v18;
	v17 =	vld.idx.msk [tilespmem:v42+s11+$0x0], $0xffff;
	v18 =	vand.u32 $0x7F, v44;
	v22 =	vand.u32 $0xFFFFFC00, v22  }
0xc7: {  	v23 =	vshll.u32 v19, $0x3;
	v11 =	vld.idx.msk [tilespmem:v11+s11+$0x0], $0xffff;
	v19 =	vand.u32 $0x7F, v19;
	v21 =	vadd.s32 v0, v10  }
0xc8: {  	v10 =	vadd.s32 v1, v10;
	v14 =	vld.idx.msk [tilespmem:v14+s15+$0x0], $0xffff;
	v18 =	vor.u32 v18, v22;
	v47 =	vand.u32 $0xFFFFFC00, v23  }
0xc9: {  	v12 =	vld.idx.msk [tilespmem:v12+s15+$0x0], $0xffff;
	v48 =	vadd.s32 v0, v18;
	v19 =	vor.u32 v19, v47  }
0xca: {  	v22 =	vadd.s32 v0, v19;
	v20 =	vld.idx.msk [tilespmem:v46+s11+$0x0], $0xffff  }
0xcb: {  	v18 =	vadd.s32 v1, v18;
	v16 =	vld.idx.msk [tilespmem:v16+s11+$0x0], $0xffff  }
0xcc: {  	v19 =	vadd.s32 v1, v19;
	v21 =	vld.idx.msk [tilespmem:v21+s15+$0x0], $0xffff  }
0xcd: {  	v10 =	vld.idx.msk [tilespmem:v10+s15+$0x0], $0xffff  }
0xce: {  	v23 =	vld.idx.msk [tilespmem:v48+s11+$0x0], $0xffff  }
0xcf: {  	v13 =	vmul.f32 v15, v13;
	v22 =	vld.idx.msk [tilespmem:v22+s15+$0x0], $0xffff  }
0xd0: {  	v14 =	vmul.f32 v14, v17;
	v49 =	vld.idx.msk [tilespmem:v18+s11+$0x0], $0xffff  }
0xd1: {  	v8 =	vmul.f32 v8, v9;
	v51 =	vadd.f32 $0.0e+00, v13;
	v50 =	vld.idx.msk [tilespmem:v19+s15+$0x0], $0xffff  }
0xd2: {  	v11 =	vmul.f32 v12, v11;
	v53 =	vadd.f32 $0.0e+00, v14  }
0xd3: {  	v8 =	vadd.f32 v8, v51;
	v52 =	vmul.f32 v21, v20  }
0xd4: {  	v11 =	vadd.f32 v11, v53;
	v54 =	vmul.f32 v22, v23  }
0xd5: {  	(xrf2) =	vadd.scan.msk.f32 $0xffff, v8;
	v10 =	vmul.f32 v10, v16;
	v12 =	vadd.f32 $0.0e+00, v52  }
0xd6: {  	(xrf2) =	vadd.scan.msk.f32 $0xffff, v11;
	v55 =	vmul.f32 v50, v49;
	v9 =	vadd.f32 $0.0e+00, v54  }
0xd7: {  	v10 =	vadd.f32 v10, v12  }
0xd8: {  	v8 =	vadd.f32 v55, v9  }
0xd9: {  	s0 =	sadd.s32 $0xFFFFFFFC, s28;
	(xrf2) =	vadd.scan.msk.f32 $0xffff, v10  }
0xda: {  	v7 =	vbroadcast v7, $0xF;
	s0 =	sand.u32 $0x8, s0;
	(xrf2) =	vadd.scan.msk.f32 $0xffff, v8  }
0xdb: {  	v6 =	vbroadcast v6, $0xF;
	v5 =	vbroadcast v5, $0xF;
	v56 =	vmov s0;
	s3 =	sor.u32 $0x1, s0  }
0xdc: {  	v4 =	vbroadcast v4, $0xF;
	s5 =	sor.u32 $0x2, s0;
	vm1 =	veq.s32 v56, v2;
	v57 =	vmov s3  }
0xdd: {  	s0 =	sor.u32 $0x3, s0;
	v58 =	vmov s5;
	v3 =	vsel vm1, v7, v3;
	vm1 =	veq.s32 v57, v2  }
0xde: {  	v59 =	vmov s0;
	v3 =	vsel vm1, v6, v3;
	vm1 =	veq.s32 v58, v2  }
0xdf: {  	s0 =	sand.u32 $0xC, s28;
	v3 =	vsel vm1, v5, v3;
	vm1 =	veq.s32 v59, v2;
	v60, _, _ =	vpop (xrf2)  }
0xe0: {  	s31 =	sor.u32 $0x1, s0;
	v3 =	vsel vm1, v4, v3;
	v4 =	vmov s0;
	v61 =	vbroadcast v60, $0xF;
	v5, _, _ =	vpop (xrf2)  }
0xe1: {  	s5 =	sor.u32 $0x2, s0;
	vm1 =	veq.s32 v4, v2;
	v4 =	vmov s31;
	s31 =	sand.u32 $0x1, s30;
	v5 =	vbroadcast v5, $0xF  }
0xe2: {  	s0 =	sor.u32 $0x3, s0;
	p0 =	seq.s32 s31, $0x0;
	v3 =	vsel vm1, v61, v3;
	vm1 =	veq.s32 v4, v2;
	v4 =	vmov s5  }
0xe3: {  	v3 =	vsel vm1, v5, v3;
	vm1 =	veq.s32 v4, v2;
	v4 =	vmov s0;
	s0 =	sand.u32 @!p0 $0x7C0, s29;
	s29 =	sadd.s32 $0x20, s29;
	v62, _, _ =	vpop (xrf2)  }
0xe4: {  	p1 =	sne.s32 s29, $0x800;
	v5 =	vbroadcast v62, $0xF;
	v63, _, _ =	vpop (xrf2)  }
.Ltmp3:
0xe5: {  	v6 =	vbroadcast v63, $0xF;
	(pc) =	sbr.rel @!p1 .LBB2_5-.Ltmp3, $4  }
0xe6: {  	v3 =	vsel vm1, v5, v3;
	vm1 =	veq.s32 v4, v2  }
0xe7: {  	v3 =	vsel vm1, v6, v3  }
0xe8: {  	s0 =	sshrl.u32 @!p0 s0, $0x2;
	v4 =	vmax.f32 @!p0 v3, $0.0e+00  }
0xe9: {  	s28 =	sadd.s32 $0x8, s28;
	s30 =	sadd.s32 $0x1, s30;
	[tilespmem:s0+$0x10500] =	vst @!p0 v4  }
.LBB2_2:
0xea: {  	s31 =	sshra.s32 s29, $0x2  }
0xeb: {  	v4 =	vld [tilespmem:s31+$0x4];
	_ =	sdelay $0x4  }
0xec: {  	v4 =	vnsel vm0, $0x0, v4  }
0xed: {  	(xrf0) =	vadd.scan.msk.s32 $0xffff, v4;
	_ =	sdelay $0x1  }
0xee: {  	v4 =	vld [tilespmem:s31+$0x284];
	_ =	sdelay $0x3  }
0xef: {  	v5, _, _ =	vpop (xrf0)  }
0xf0: {  	v4 =	vnsel vm0, $0x0, v4;
	(v2sf) =	vpush v5, $0xF  }
0xf1: {  	(xrf0) =	vadd.scan.msk.s32 $0xffff, v4;
	_ =	sdelay $0x5  }
0xf2: {  	v4, _, _ =	vpop (xrf0)  }
0xf3: {  	(v2sf) =	vpush v4, $0xF;
	_ =	sdelay $0x6  }
0xf4: {  	s0 =	spop (v2sf)  }
0xf5: {  	s0 =	sand.u32 $0xFFFFF80, s0  }
0xf6: {  	s0 =	sadd.s32 s1, s0  }
0xf7: {  	[tilespmem:s10], [sflag:$0x3] =	stream.linear.gather [hbm4b:s0+s4], $0x400, $0x38;
	[tilespmem:$0x10700] =	vst v63  }
0xf8: {  	s5 =	simm.s32 $0x3500;
	s3 =	sadd.s32 $0xF4280, s0  }
0xf9: {  	[tilespmem:s5], [sflag:$0x3] =	stream.linear.gather [hbm4b:s3+s4], $0x400, $0x38;
	[tilespmem:$0x10700] =	vst v63  }
0xfa: {  	s3 =	sadd.s32 $0x1E8500, s0;
	s5 =	simm.s32 $0x5500  }
0xfb: {  	[tilespmem:s5], [sflag:$0x3] =	stream.linear.gather [hbm4b:s3+s4], $0x400, $0x38;
	[tilespmem:$0x10700] =	vst v63  }
0xfc: {  	s0 =	sadd.s32 $0x2DC780, s0;
	s5 =	simm.s32 $0x7500;
	s3 =	spop (v2sf)  }
0xfd: {  	[tilespmem:s5], [sflag:$0x3] =	stream.linear.gather [hbm4b:s0+s4], $0x400, $0x38;
	[tilespmem:$0x10700] =	vst v63  }
0xfe: {  	s0 =	sand.u32 $0xFFFFF80, s3  }
0xff: {  	s5 =	simm.s32 $0x9500;
	s0 =	sadd.s32 s2, s0  }
0x100: {  	[tilespmem:s5], [sflag:$0x4] =	stream.linear.gather [hbm4b:s0+s4], $0x400, $0x38;
	[tilespmem:$0x10700] =	vst v63  }
0x101: {  	s3 =	sadd.s32 $0xF4280, s0;
	s5 =	simm.s32 $0xB500  }
0x102: {  	[tilespmem:s5], [sflag:$0x4] =	stream.linear.gather [hbm4b:s3+s4], $0x400, $0x38;
	[tilespmem:$0x10700] =	vst v63  }
0x103: {  	s3 =	sadd.s32 $0x1E8500, s0;
	s5 =	simm.s32 $0xD500  }
0x104: {  	[tilespmem:s5], [sflag:$0x4] =	stream.linear.gather [hbm4b:s3+s4], $0x400, $0x38;
	[tilespmem:$0x10700] =	vst v63  }
0x105: {  	s0 =	sadd.s32 $0x2DC780, s0;
	s5 =	simm.s32 $0xF500  }
0x106: {  	[tilespmem:s5], [sflag:$0x4] =	stream.linear.gather [hbm4b:s0+s4], $0x400, $0x38;
	[tilespmem:$0x10700] =	vst v63  }
0x107: {  	v4 =	vld [tilespmem:s31+$0x5];
	_ =	sdelay $0x4  }
0x108: {  	v4 =	vnsel vm0, $0x0, v4  }
0x109: {  	(xrf0) =	vadd.scan.msk.s32 $0xffff, v4;
	_ =	sdelay $0x1  }
0x10a: {  	v4 =	vld [tilespmem:s31+$0x285];
	_ =	sdelay $0x3  }
0x10b: {  	v5, _, _ =	vpop (xrf0)  }
0x10c: {  	v4 =	vnsel vm0, $0x0, v4;
	(v2sf) =	vpush v5, $0xF  }
0x10d: {  	(xrf0) =	vadd.scan.msk.s32 $0xffff, v4;
	_ =	sdelay $0x5  }
0x10e: {  	v4, _, _ =	vpop (xrf0)  }
0x10f: {  	(v2sf) =	vpush v4, $0xF;
	_ =	sdelay $0x6  }
0x110: {  	s3 =	spop (v2sf)  }
0x111: {  	s0 =	sand.u32 $0xFFFFF80, s3  }
0x112: {  	s5 =	simm.s32 $0x1900;
	s0 =	sadd.s32 s1, s0  }
0x113: {  	[tilespmem:s5], [sflag:$0x3] =	stream.linear.gather [hbm4b:s0+s4], $0x400, $0x38;
	[tilespmem:$0x10700] =	vst v63  }
0x114: {  	s3 =	sadd.s32 $0xF4280, s0;
	s5 =	simm.s32 $0x3900  }
0x115: {  	[tilespmem:s5], [sflag:$0x3] =	stream.linear.gather [hbm4b:s3+s4], $0x400, $0x38;
	[tilespmem:$0x10700] =	vst v63  }
0x116: {  	s3 =	sadd.s32 $0x1E8500, s0;
	s5 =	simm.s32 $0x5900  }
0x117: {  	[tilespmem:s5], [sflag:$0x3] =	stream.linear.gather [hbm4b:s3+s4], $0x400, $0x38;
	[tilespmem:$0x10700] =	vst v63  }
0x118: {  	s0 =	sadd.s32 $0x2DC780, s0;
	s5 =	simm.s32 $0x7900;
	s3 =	spop (v2sf)  }
0x119: {  	[tilespmem:s5], [sflag:$0x3] =	stream.linear.gather [hbm4b:s0+s4], $0x400, $0x38;
	[tilespmem:$0x10700] =	vst v63  }
0x11a: {  	s0 =	sand.u32 $0xFFFFF80, s3  }
0x11b: {  	s5 =	simm.s32 $0x9900;
	s0 =	sadd.s32 s2, s0  }
0x11c: {  	[tilespmem:s5], [sflag:$0x4] =	stream.linear.gather [hbm4b:s0+s4], $0x400, $0x38;
	[tilespmem:$0x10700] =	vst v63  }
0x11d: {  	s3 =	sadd.s32 $0xF4280, s0;
	s5 =	simm.s32 $0xB900  }
0x11e: {  	[tilespmem:s5], [sflag:$0x4] =	stream.linear.gather [hbm4b:s3+s4], $0x400, $0x38;
	[tilespmem:$0x10700] =	vst v63  }
0x11f: {  	s3 =	sadd.s32 $0x1E8500, s0;
	s5 =	simm.s32 $0xD900  }
0x120: {  	[tilespmem:s5], [sflag:$0x4] =	stream.linear.gather [hbm4b:s3+s4], $0x400, $0x38;
	[tilespmem:$0x10700] =	vst v63  }
0x121: {  	s0 =	sadd.s32 $0x2DC780, s0;
	s5 =	simm.s32 $0xF900  }
0x122: {  	[tilespmem:s5], [sflag:$0x4] =	stream.linear.gather [hbm4b:s0+s4], $0x400, $0x38;
	[tilespmem:$0x10700] =	vst v63  }
0x123: {  	v4 =	vld [tilespmem:s31+$0x6];
	_ =	sdelay $0x4  }
0x124: {  	v4 =	vnsel vm0, $0x0, v4  }
0x125: {  	(xrf0) =	vadd.scan.msk.s32 $0xffff, v4;
	_ =	sdelay $0x1  }
0x126: {  	v4 =	vld [tilespmem:s31+$0x286];
	_ =	sdelay $0x3  }
0x127: {  	v5, _, _ =	vpop (xrf0)  }
0x128: {  	v4 =	vnsel vm0, $0x0, v4;
	(v2sf) =	vpush v5, $0xF  }
0x129: {  	(xrf0) =	vadd.scan.msk.s32 $0xffff, v4;
	_ =	sdelay $0x5  }
0x12a: {  	v4, _, _ =	vpop (xrf0)  }
0x12b: {  	(v2sf) =	vpush v4, $0xF;
	_ =	sdelay $0x6  }
0x12c: {  	s3 =	spop (v2sf)  }
0x12d: {  	s0 =	sand.u32 $0xFFFFF80, s3  }
0x12e: {  	s5 =	simm.s32 $0x1D00;
	s0 =	sadd.s32 s1, s0  }
0x12f: {  	[tilespmem:s5], [sflag:$0x3] =	stream.linear.gather [hbm4b:s0+s4], $0x400, $0x38;
	[tilespmem:$0x10700] =	vst v63  }
0x130: {  	s3 =	sadd.s32 $0xF4280, s0;
	s5 =	simm.s32 $0x3D00  }
0x131: {  	[tilespmem:s5], [sflag:$0x3] =	stream.linear.gather [hbm4b:s3+s4], $0x400, $0x38;
	[tilespmem:$0x10700] =	vst v63  }
0x132: {  	s5 =	sadd.s32 $0x1E8500, s0  }
0x133: {  	[tilespmem:s6], [sflag:$0x3] =	stream.linear.gather [hbm4b:s5+s4], $0x400, $0x38;
	[tilespmem:$0x10700] =	vst v63  }
0x134: {  	s0 =	sadd.s32 $0x2DC780, s0;
	s3 =	spop (v2sf)  }
0x135: {  	[tilespmem:s7], [sflag:$0x3] =	stream.linear.gather [hbm4b:s0+s4], $0x400, $0x38;
	[tilespmem:$0x10700] =	vst v63  }
0x136: {  	s0 =	sand.u32 $0xFFFFF80, s3  }
0x137: {  	s0 =	sadd.s32 s2, s0  }
0x138: {  	[tilespmem:s8], [sflag:$0x4] =	stream.linear.gather [hbm4b:s0+s4], $0x400, $0x38;
	[tilespmem:$0x10700] =	vst v63  }
0x139: {  	s5 =	sadd.s32 $0xF4280, s0  }
0x13a: {  	[tilespmem:s9], [sflag:$0x4] =	stream.linear.gather [hbm4b:s5+s4], $0x400, $0x38;
	[tilespmem:$0x10700] =	vst v63  }
0x13b: {  	s5 =	sadd.s32 $0x1E8500, s0  }
0x13c: {  	[tilespmem:s12], [sflag:$0x4] =	stream.linear.gather [hbm4b:s5+s4], $0x400, $0x38;
	[tilespmem:$0x10700] =	vst v63  }
0x13d: {  	s0 =	sadd.s32 $0x2DC780, s0  }
0x13e: {  	[tilespmem:s13], [sflag:$0x4] =	stream.linear.gather [hbm4b:s0+s4], $0x400, $0x38;
	[tilespmem:$0x10700] =	vst v63  }
0x13f: {  	v4 =	vld [tilespmem:s31+$0x7];
	_ =	sdelay $0x4  }
0x140: {  	v4 =	vnsel vm0, $0x0, v4  }
0x141: {  	(xrf0) =	vadd.scan.msk.s32 $0xffff, v4;
	_ =	sdelay $0x1  }
0x142: {  	v4 =	vld [tilespmem:s31+$0x287];
	_ =	sdelay $0x3  }
0x143: {  	v5, _, _ =	vpop (xrf0)  }
0x144: {  	v4 =	vnsel vm0, $0x0, v4;
	(v2sf) =	vpush v5, $0xF  }
0x145: {  	(xrf0) =	vadd.scan.msk.s32 $0xffff, v4;
	_ =	sdelay $0x5  }
0x146: {  	v4, _, _ =	vpop (xrf0)  }
0x147: {  	(v2sf) =	vpush v4, $0xF;
	_ =	sdelay $0x6  }
0x148: {  	s3 =	spop (v2sf)  }
0x149: {  	s0 =	sand.u32 $0xFFFFF80, s3  }
0x14a: {  	s0 =	sadd.s32 s1, s0  }
0x14b: {  	[tilespmem:s14], [sflag:$0x3] =	stream.linear.gather [hbm4b:s0+s4], $0x400, $0x38;
	[tilespmem:$0x10700] =	vst v63  }
0x14c: {  	s5 =	sadd.s32 $0xF4280, s0  }
0x14d: {  	[tilespmem:s16], [sflag:$0x3] =	stream.linear.gather [hbm4b:s5+s4], $0x400, $0x38;
	[tilespmem:$0x10700] =	vst v63  }
0x14e: {  	s5 =	sadd.s32 $0x1E8500, s0  }
0x14f: {  	[tilespmem:s17], [sflag:$0x3] =	stream.linear.gather [hbm4b:s5+s4], $0x400, $0x38;
	[tilespmem:$0x10700] =	vst v63  }
0x150: {  	s0 =	sadd.s32 $0x2DC780, s0;
	s3 =	spop (v2sf)  }
0x151: {  	[tilespmem:s18], [sflag:$0x3] =	stream.linear.gather [hbm4b:s0+s4], $0x400, $0x38;
	[tilespmem:$0x10700] =	vst v63  }
0x152: {  	s0 =	sand.u32 $0xFFFFF80, s3  }
0x153: {  	s0 =	sadd.s32 s2, s0  }
0x154: {  	[tilespmem:s19], [sflag:$0x4] =	stream.linear.gather [hbm4b:s0+s4], $0x400, $0x38;
	[tilespmem:$0x10700] =	vst v63  }
0x155: {  	s5 =	sadd.s32 $0xF4280, s0  }
0x156: {  	[tilespmem:s20], [sflag:$0x4] =	stream.linear.gather [hbm4b:s5+s4], $0x400, $0x38;
	[tilespmem:$0x10700] =	vst v63  }
0x157: {  	s5 =	sadd.s32 $0x1E8500, s0  }
0x158: {  	[tilespmem:s21], [sflag:$0x4] =	stream.linear.gather [hbm4b:s5+s4], $0x400, $0x38;
	[tilespmem:$0x10700] =	vst v63  }
0x159: {  	s0 =	sadd.s32 $0x2DC780, s0  }
0x15a: {  	[tilespmem:s22], [sflag:$0x4] =	stream.linear.gather [hbm4b:s0+s4], $0x400, $0x38;
	[tilespmem:$0x10700] =	vst v63  }
0x15b: {  	_ =	swait.ge [sflag:s23], $0x4000  }
0x15c: {  	[sflag:s23] =	ssyncset.done $0x0  }
0x15d: {  	[sflag:s23] =	ssyncadd.s32 $0xFFFFC000  }
0x15e: {  	_ =	swait.ge [sflag:s24], $0x4000  }
0x15f: {  	[sflag:s24] =	ssyncset.done $0x0  }
0x160: {  	[sflag:s24] =	ssyncadd.s32 $0xFFFFC000  }
0x161: {  	v4 =	vld [tilespmem:s31+$0x0]  }
0x162: {  	v5 =	vld [tilespmem:s31+$0x280];
	_ =	sdelay $0x2  }
0x163: {  	v6 =	vld [tilespmem:s31+$0x1]  }
0x164: {  	v4 =	vnsel vm0, $0x0, v4  }
0x165: {  	v5 =	vnsel vm0, $0x0, v5;
	v4 =	vand.u32 $0x7F, v4  }
0x166: {  	(xrf0) =	vadd.scan.msk.s32 $0xffff, v4;
	v4 =	vand.u32 $0x7F, v5;
	v5 =	vld [tilespmem:s31+$0x281]  }
0x167: {  	(xrf0) =	vadd.scan.msk.s32 $0xffff, v4  }
0x168: {  	v4 =	vnsel vm0, $0x0, v6;
	v6 =	vld [tilespmem:s31+$0x2]  }
0x169: {  	v10 =	vld [tilespmem:s31+$0x3];
	_ =	sdelay $0x1  }
0x16a: {  	v4 =	vand.u32 $0x7F, v4;
	v5 =	vnsel vm0, $0x0, v5  }
0x16b: {  	(xrf0) =	vadd.scan.msk.s32 $0xffff, v4;
	v7, _, _ =	vpop (xrf0);
	v4 =	vand.u32 $0x7F, v5;
	v5 =	vld [tilespmem:s31+$0x282]  }
0x16c: {  	v6 =	vnsel vm0, $0x0, v6;
	v8, _, _ =	vpop (xrf0);
	v7 =	vbroadcast v7, $0xF;
	(xrf0) =	vadd.scan.msk.s32 $0xffff, v4  }
0x16d: {  	v10 =	vnsel vm0, $0x0, v10;
	v6 =	vand.u32 $0x7F, v6;
	v4 =	vbroadcast v8, $0xF  }
0x16e: {  	v10 =	vand.u32 $0x7F, v10;
	(xrf0) =	vadd.scan.msk.s32 $0xffff, v6;
	v6 =	vld [tilespmem:s31+$0x283];
	v8 =	vand.u32 $0x7F, v7;
	v7 =	vshll.u32 v7, $0x3  }
0x16f: {  	v7 =	vand.u32 $0xFFFFFC00, v7;
	v9 =	vshll.u32 v4, $0x3;
	v4 =	vand.u32 $0x7F, v4  }
0x170: {  	v9 =	vand.u32 $0xFFFFFC00, v9;
	v5 =	vnsel vm0, $0x0, v5;
	v7 =	vor.u32 v8, v7  }
0x171: {  	v4 =	vor.u32 v4, v9;
	v8, _, _ =	vpop (xrf0);
	v5 =	vand.u32 $0x7F, v5;
	v51 =	vadd.s32 v0, v7  }
0x172: {  	v11 =	vadd.s32 v0, v4;
	v12, _, _ =	vpop (xrf0);
	v8 =	vadd.s32 $0x80, v8;
	(xrf0) =	vadd.scan.msk.s32 $0xffff, v5;
	v5 =	vadd.s32 v1, v7  }
0x173: {  	v6 =	vnsel vm0, $0x0, v6;
	v7 =	vbroadcast v8, $0xF;
	v8 =	vadd.s32 $0x80, v12  }
0x174: {  	v4 =	vadd.s32 v1, v4;
	v13, _, _ =	vpop (xrf0);
	(xrf0) =	vadd.scan.msk.s32 $0xffff, v10;
	v6 =	vand.u32 $0x7F, v6;
	v8 =	vbroadcast v8, $0xF  }
0x175: {  	v54 =	vadd.s32 $0x100, v13;
	(xrf0) =	vadd.scan.msk.s32 $0xffff, v6;
	v52 =	vshll.u32 v7, $0x3;
	v7 =	vand.u32 $0x7F, v7  }
0x176: {  	v12 =	vand.u32 $0xFFFFFC00, v52;
	v53 =	vshll.u32 v8, $0x3;
	v8 =	vand.u32 $0x7F, v8  }
0x177: {  	v7 =	vor.u32 v7, v12;
	v10 =	vand.u32 $0xFFFFFC00, v53;
	v12 =	vbroadcast v54, $0xF  }
0x178: {  	v6, _, _ =	vpop (xrf0);
	v55 =	vadd.s32 v0, v7;
	v8 =	vor.u32 v8, v10;
	v7 =	vadd.s32 v1, v7  }
0x179: {  	v6 =	vadd.s32 $0x100, v6;
	v10 =	vadd.s32 v0, v8;
	v14 =	vshll.u32 v12, $0x3  }
0x17a: {  	v12 =	vand.u32 $0x7F, v12;
	v15, _, _ =	vpop (xrf0);
	v6 =	vbroadcast v6, $0xF;
	v14 =	vand.u32 $0xFFFFFC00, v14  }
0x17b: {  	v9 =	vld.idx.msk [tilespmem:v51+s11+$0x0], $0xffff;
	v8 =	vadd.s32 v1, v8;
	v16, _, _ =	vpop (xrf0);
	v15 =	vadd.s32 $0x180, v15;
	v12 =	vor.u32 v12, v14  }
0x17c: {  	v11 =	vld.idx.msk [tilespmem:v11+s15+$0x0], $0xffff;
	v57 =	vbroadcast v15, $0xF;
	v58 =	vadd.s32 $0x180, v16;
	v56 =	vshll.u32 v6, $0x3  }
0x17d: {  	v5 =	vld.idx.msk [tilespmem:v5+s11+$0x0], $0xffff;
	v6 =	vand.u32 $0x7F, v6;
	v59 =	vadd.s32 v0, v12;
	v15 =	vbroadcast v58, $0xF  }
0x17e: {  	v4 =	vld.idx.msk [tilespmem:v4+s15+$0x0], $0xffff;
	v12 =	vadd.s32 v1, v12;
	v14 =	vand.u32 $0xFFFFFC00, v56;
	v18 =	vshll.u32 v57, $0x3  }
0x17f: {  	v13 =	vld.idx.msk [tilespmem:v55+s11+$0x0], $0xffff;
	v6 =	vor.u32 v6, v14;
	v14 =	vand.u32 $0x7F, v57;
	v18 =	vand.u32 $0xFFFFFC00, v18  }
0x180: {  	v7 =	vld.idx.msk [tilespmem:v7+s11+$0x0], $0xffff;
	v19 =	vshll.u32 v15, $0x3;
	v15 =	vand.u32 $0x7F, v15;
	v17 =	vadd.s32 v0, v6  }
0x181: {  	v10 =	vld.idx.msk [tilespmem:v10+s15+$0x0], $0xffff;
	v6 =	vadd.s32 v1, v6;
	v14 =	vor.u32 v14, v18;
	v60 =	vand.u32 $0xFFFFFC00, v19  }
0x182: {  	v8 =	vld.idx.msk [tilespmem:v8+s15+$0x0], $0xffff;
	v61 =	vadd.s32 v0, v14;
	v15 =	vor.u32 v15, v60  }
0x183: {  	v16 =	vld.idx.msk [tilespmem:v59+s11+$0x0], $0xffff;
	v18 =	vadd.s32 v0, v15  }
0x184: {  	v14 =	vadd.s32 v1, v14;
	v12 =	vld.idx.msk [tilespmem:v12+s11+$0x0], $0xffff  }
0x185: {  	v15 =	vadd.s32 v1, v15;
	v17 =	vld.idx.msk [tilespmem:v17+s15+$0x0], $0xffff  }
0x186: {  	v6 =	vld.idx.msk [tilespmem:v6+s15+$0x0], $0xffff  }
0x187: {  	v19 =	vld.idx.msk [tilespmem:v61+s11+$0x0], $0xffff  }
0x188: {  	v18 =	vld.idx.msk [tilespmem:v18+s15+$0x0], $0xffff  }
0x189: {  	v14 =	vld.idx.msk [tilespmem:v14+s11+$0x0], $0xffff  }
0x18a: {  	v9 =	vmul.f32 v11, v9;
	v62 =	vld.idx.msk [tilespmem:v15+s15+$0x0], $0xffff  }
0x18b: {  	v10 =	vmul.f32 v10, v13  }
0x18c: {  	v4 =	vmul.f32 v4, v5;
	v9 =	vadd.f32 $0.0e+00, v9;
	v5 =	vmul.f32 v17, v16  }
0x18d: {  	v7 =	vmul.f32 v8, v7;
	v10 =	vadd.f32 $0.0e+00, v10;
	v8 =	vmul.f32 v18, v19  }
0x18e: {  	v4 =	vadd.f32 v4, v9;
	v6 =	vmul.f32 v6, v12;
	v5 =	vadd.f32 $0.0e+00, v5  }
0x18f: {  	v7 =	vadd.f32 v7, v10;
	v63 =	vmul.f32 v62, v14;
	v8 =	vadd.f32 $0.0e+00, v8  }
0x190: {  	(xrf2) =	vadd.scan.msk.f32 $0xffff, v4;
	v4 =	vadd.f32 v6, v5  }
0x191: {  	(xrf2) =	vadd.scan.msk.f32 $0xffff, v7;
	v5 =	vadd.f32 v63, v8  }
0x192: {  	(xrf2) =	vadd.scan.msk.f32 $0xffff, v4  }
0x193: {  	(xrf2) =	vadd.scan.msk.f32 $0xffff, v5;
	_ =	sdelay $0x4  }
0x194: {  	p0 =	seq.s32 s29, $0x7E0  }
.Ltmp4:
0x195: {  	_ = 	snop;
	(pc) =	sbr.rel @p0 .LBB2_4-.Ltmp4, $4  }
0x196: {  	v7, _, _ =	vpop (xrf2)  }
0x197: {  	v6, _, _ =	vpop (xrf2)  }
0x198: {  	v5, _, _ =	vpop (xrf2)  }
0x199: {  	v4, _, _ =	vpop (xrf2)  }
0x19a: {  	v8 =	vld [tilespmem:s31+$0x8];
	_ =	sdelay $0x4  }
0x19b: {  	v8 =	vnsel vm0, $0x0, v8  }
0x19c: {  	(xrf0) =	vadd.scan.msk.s32 $0xffff, v8;
	_ =	sdelay $0x1  }
0x19d: {  	v8 =	vld [tilespmem:s31+$0x288];
	_ =	sdelay $0x3  }
0x19e: {  	v9, _, _ =	vpop (xrf0)  }
0x19f: {  	v8 =	vnsel vm0, $0x0, v8;
	(v2sf) =	vpush v9, $0xF  }
0x1a0: {  	(xrf0) =	vadd.scan.msk.s32 $0xffff, v8;
	_ =	sdelay $0x5  }
0x1a1: {  	v8, _, _ =	vpop (xrf0)  }
0x1a2: {  	(v2sf) =	vpush v8, $0xF;
	_ =	sdelay $0x6  }
0x1a3: {  	s0 =	spop (v2sf)  }
0x1a4: {  	s0 =	sand.u32 $0xFFFFF80, s0  }
0x1a5: {  	s0 =	sadd.s32 s1, s0  }
0x1a6: {  	[tilespmem:s11], [sflag:$0x1] =	stream.linear.gather [hbm4b:s0+s4], $0x400, $0x38;
	[tilespmem:$0x10700] =	vst v63  }
0x1a7: {  	s10 =	simm.s32 $0x2500;
	s3 =	sadd.s32 $0xF4280, s0  }
0x1a8: {  	[tilespmem:s10], [sflag:$0x1] =	stream.linear.gather [hbm4b:s3+s4], $0x400, $0x38;
	[tilespmem:$0x10700] =	vst v63  }
0x1a9: {  	s5 =	simm.s32 $0x4500;
	s10 =	sadd.s32 $0x1E8500, s0  }
0x1aa: {  	[tilespmem:s5], [sflag:$0x1] =	stream.linear.gather [hbm4b:s10+s4], $0x400, $0x38;
	[tilespmem:$0x10700] =	vst v63  }
0x1ab: {  	s0 =	sadd.s32 $0x2DC780, s0;
	s10 =	simm.s32 $0x6500;
	s5 =	spop (v2sf)  }
0x1ac: {  	[tilespmem:s10], [sflag:$0x1] =	stream.linear.gather [hbm4b:s0+s4], $0x400, $0x38;
	[tilespmem:$0x10700] =	vst v63  }
0x1ad: {  	s0 =	sand.u32 $0xFFFFF80, s5  }
0x1ae: {  	s0 =	sadd.s32 s2, s0  }
0x1af: {  	[tilespmem:s15], [sflag:$0x2] =	stream.linear.gather [hbm4b:s0+s4], $0x400, $0x38;
	[tilespmem:$0x10700] =	vst v63  }
0x1b0: {  	s5 =	simm.s32 $0xA500;
	s10 =	sadd.s32 $0xF4280, s0  }
0x1b1: {  	[tilespmem:s5], [sflag:$0x2] =	stream.linear.gather [hbm4b:s10+s4], $0x400, $0x38;
	[tilespmem:$0x10700] =	vst v63  }
0x1b2: {  	s10 =	sadd.s32 $0x1E8500, s0;
	s5 =	simm.s32 $0xC500  }
0x1b3: {  	[tilespmem:s5], [sflag:$0x2] =	stream.linear.gather [hbm4b:s10+s4], $0x400, $0x38;
	[tilespmem:$0x10700] =	vst v63  }
0x1b4: {  	s0 =	sadd.s32 $0x2DC780, s0;
	s10 =	simm.s32 $0xE500  }
0x1b5: {  	[tilespmem:s10], [sflag:$0x2] =	stream.linear.gather [hbm4b:s0+s4], $0x400, $0x38;
	[tilespmem:$0x10700] =	vst v63  }
0x1b6: {  	v8 =	vld [tilespmem:s31+$0x9];
	_ =	sdelay $0x4  }
0x1b7: {  	v8 =	vnsel vm0, $0x0, v8  }
0x1b8: {  	(xrf0) =	vadd.scan.msk.s32 $0xffff, v8;
	_ =	sdelay $0x1  }
0x1b9: {  	v8 =	vld [tilespmem:s31+$0x289];
	_ =	sdelay $0x3  }
0x1ba: {  	v61, _, _ =	vpop (xrf0)  }
0x1bb: {  	v8 =	vnsel vm0, $0x0, v8;
	(v2sf) =	vpush v61, $0xF  }
0x1bc: {  	(xrf0) =	vadd.scan.msk.s32 $0xffff, v8;
	_ =	sdelay $0x5  }
0x1bd: {  	v8, _, _ =	vpop (xrf0)  }
0x1be: {  	(v2sf) =	vpush v8, $0xF;
	_ =	sdelay $0x6  }
0x1bf: {  	s3 =	spop (v2sf)  }
0x1c0: {  	s0 =	sand.u32 $0xFFFFF80, s3  }
0x1c1: {  	s5 =	simm.s32 $0x900;
	s0 =	sadd.s32 s1, s0  }
0x1c2: {  	[tilespmem:s5], [sflag:$0x1] =	stream.linear.gather [hbm4b:s0+s4], $0x400, $0x38;
	[tilespmem:$0x10700] =	vst v63  }
0x1c3: {  	s10 =	sadd.s32 $0xF4280, s0;
	s5 =	simm.s32 $0x2900  }
0x1c4: {  	[tilespmem:s5], [sflag:$0x1] =	stream.linear.gather [hbm4b:s10+s4], $0x400, $0x38;
	[tilespmem:$0x10700] =	vst v63  }
0x1c5: {  	s10 =	sadd.s32 $0x1E8500, s0;
	s5 =	simm.s32 $0x4900  }
0x1c6: {  	[tilespmem:s5], [sflag:$0x1] =	stream.linear.gather [hbm4b:s10+s4], $0x400, $0x38;
	[tilespmem:$0x10700] =	vst v63  }
0x1c7: {  	s0 =	sadd.s32 $0x2DC780, s0;
	s3 =	spop (v2sf);
	s10 =	simm.s32 $0x6900  }
0x1c8: {  	[tilespmem:s10], [sflag:$0x1] =	stream.linear.gather [hbm4b:s0+s4], $0x400, $0x38;
	[tilespmem:$0x10700] =	vst v63  }
0x1c9: {  	s0 =	sand.u32 $0xFFFFF80, s3  }
0x1ca: {  	s5 =	simm.s32 $0x8900;
	s0 =	sadd.s32 s2, s0  }
0x1cb: {  	[tilespmem:s5], [sflag:$0x2] =	stream.linear.gather [hbm4b:s0+s4], $0x400, $0x38;
	[tilespmem:$0x10700] =	vst v63  }
0x1cc: {  	s10 =	sadd.s32 $0xF4280, s0;
	s5 =	simm.s32 $0xA900  }
0x1cd: {  	[tilespmem:s5], [sflag:$0x2] =	stream.linear.gather [hbm4b:s10+s4], $0x400, $0x38;
	[tilespmem:$0x10700] =	vst v63  }
0x1ce: {  	s10 =	sadd.s32 $0x1E8500, s0;
	s5 =	simm.s32 $0xC900  }
0x1cf: {  	[tilespmem:s5], [sflag:$0x2] =	stream.linear.gather [hbm4b:s10+s4], $0x400, $0x38;
	[tilespmem:$0x10700] =	vst v63  }
0x1d0: {  	s0 =	sadd.s32 $0x2DC780, s0;
	s10 =	simm.s32 $0xE900  }
0x1d1: {  	[tilespmem:s10], [sflag:$0x2] =	stream.linear.gather [hbm4b:s0+s4], $0x400, $0x38;
	[tilespmem:$0x10700] =	vst v63  }
0x1d2: {  	v8 =	vld [tilespmem:s31+$0xA];
	_ =	sdelay $0x4  }
0x1d3: {  	v8 =	vnsel vm0, $0x0, v8  }
0x1d4: {  	(xrf0) =	vadd.scan.msk.s32 $0xffff, v8;
	_ =	sdelay $0x1  }
0x1d5: {  	v8 =	vld [tilespmem:s31+$0x28A];
	_ =	sdelay $0x3  }
0x1d6: {  	v62, _, _ =	vpop (xrf0)  }
0x1d7: {  	v8 =	vnsel vm0, $0x0, v8;
	(v2sf) =	vpush v62, $0xF  }
0x1d8: {  	(xrf0) =	vadd.scan.msk.s32 $0xffff, v8;
	_ =	sdelay $0x5  }
0x1d9: {  	v8, _, _ =	vpop (xrf0)  }
0x1da: {  	(v2sf) =	vpush v8, $0xF;
	_ =	sdelay $0x6  }
0x1db: {  	s3 =	spop (v2sf)  }
0x1dc: {  	s0 =	sand.u32 $0xFFFFF80, s3  }
0x1dd: {  	s5 =	simm.s32 $0xD00;
	s0 =	sadd.s32 s1, s0  }
0x1de: {  	[tilespmem:s5], [sflag:$0x1] =	stream.linear.gather [hbm4b:s0+s4], $0x400, $0x38;
	[tilespmem:$0x10700] =	vst v63  }
0x1df: {  	s10 =	sadd.s32 $0xF4280, s0;
	s5 =	simm.s32 $0x2D00  }
0x1e0: {  	[tilespmem:s5], [sflag:$0x1] =	stream.linear.gather [hbm4b:s10+s4], $0x400, $0x38;
	[tilespmem:$0x10700] =	vst v63  }
0x1e1: {  	s10 =	sadd.s32 $0x1E8500, s0;
	s5 =	simm.s32 $0x4D00  }
0x1e2: {  	[tilespmem:s5], [sflag:$0x1] =	stream.linear.gather [hbm4b:s10+s4], $0x400, $0x38;
	[tilespmem:$0x10700] =	vst v63  }
0x1e3: {  	s0 =	sadd.s32 $0x2DC780, s0;
	s3 =	spop (v2sf);
	s10 =	simm.s32 $0x6D00  }
0x1e4: {  	[tilespmem:s10], [sflag:$0x1] =	stream.linear.gather [hbm4b:s0+s4], $0x400, $0x38;
	[tilespmem:$0x10700] =	vst v63  }
0x1e5: {  	s0 =	sand.u32 $0xFFFFF80, s3  }
0x1e6: {  	s5 =	simm.s32 $0x8D00;
	s0 =	sadd.s32 s2, s0  }
0x1e7: {  	[tilespmem:s5], [sflag:$0x2] =	stream.linear.gather [hbm4b:s0+s4], $0x400, $0x38;
	[tilespmem:$0x10700] =	vst v63  }
0x1e8: {  	s10 =	sadd.s32 $0xF4280, s0;
	s5 =	simm.s32 $0xAD00  }
0x1e9: {  	[tilespmem:s5], [sflag:$0x2] =	stream.linear.gather [hbm4b:s10+s4], $0x400, $0x38;
	[tilespmem:$0x10700] =	vst v63  }
0x1ea: {  	s10 =	sadd.s32 $0x1E8500, s0;
	s5 =	simm.s32 $0xCD00  }
0x1eb: {  	[tilespmem:s5], [sflag:$0x2] =	stream.linear.gather [hbm4b:s10+s4], $0x400, $0x38;
	[tilespmem:$0x10700] =	vst v63  }
0x1ec: {  	s0 =	sadd.s32 $0x2DC780, s0;
	s10 =	simm.s32 $0xED00  }
0x1ed: {  	[tilespmem:s10], [sflag:$0x2] =	stream.linear.gather [hbm4b:s0+s4], $0x400, $0x38;
	[tilespmem:$0x10700] =	vst v63  }
0x1ee: {  	v8 =	vld [tilespmem:s31+$0xB];
	_ =	sdelay $0x4  }
0x1ef: {  	v8 =	vnsel vm0, $0x0, v8  }
0x1f0: {  	(xrf0) =	vadd.scan.msk.s32 $0xffff, v8;
	_ =	sdelay $0x1  }
0x1f1: {  	v8 =	vld [tilespmem:s31+$0x28B];
	_ =	sdelay $0x3  }
0x1f2: {  	v63, _, _ =	vpop (xrf0)  }
0x1f3: {  	v8 =	vnsel vm0, $0x0, v8;
	(v2sf) =	vpush v63, $0xF  }
0x1f4: {  	(xrf0) =	vadd.scan.msk.s32 $0xffff, v8;
	_ =	sdelay $0x5  }
0x1f5: {  	v8, _, _ =	vpop (xrf0)  }
0x1f6: {  	(v2sf) =	vpush v8, $0xF;
	_ =	sdelay $0x6  }
0x1f7: {  	s3 =	spop (v2sf)  }
0x1f8: {  	s0 =	sand.u32 $0xFFFFF80, s3  }
0x1f9: {  	s5 =	simm.s32 $0x1100;
	s0 =	sadd.s32 s1, s0  }
0x1fa: {  	[tilespmem:s5], [sflag:$0x1] =	stream.linear.gather [hbm4b:s0+s4], $0x400, $0x38;
	[tilespmem:$0x10700] =	vst v63  }
0x1fb: {  	s10 =	sadd.s32 $0xF4280, s0;
	s5 =	simm.s32 $0x3100  }
0x1fc: {  	[tilespmem:s5], [sflag:$0x1] =	stream.linear.gather [hbm4b:s10+s4], $0x400, $0x38;
	[tilespmem:$0x10700] =	vst v63  }
0x1fd: {  	s10 =	sadd.s32 $0x1E8500, s0;
	s5 =	simm.s32 $0x5100  }
0x1fe: {  	[tilespmem:s5], [sflag:$0x1] =	stream.linear.gather [hbm4b:s10+s4], $0x400, $0x38;
	[tilespmem:$0x10700] =	vst v63  }
0x1ff: {  	s0 =	sadd.s32 $0x2DC780, s0;
	s3 =	spop (v2sf);
	s10 =	simm.s32 $0x7100  }
0x200: {  	[tilespmem:s10], [sflag:$0x1] =	stream.linear.gather [hbm4b:s0+s4], $0x400, $0x38;
	[tilespmem:$0x10700] =	vst v63  }
0x201: {  	s0 =	sand.u32 $0xFFFFF80, s3  }
0x202: {  	s5 =	simm.s32 $0x9100;
	s0 =	sadd.s32 s2, s0  }
0x203: {  	[tilespmem:s5], [sflag:$0x2] =	stream.linear.gather [hbm4b:s0+s4], $0x400, $0x38;
	[tilespmem:$0x10700] =	vst v63  }
0x204: {  	s10 =	sadd.s32 $0xF4280, s0;
	s5 =	simm.s32 $0xB100  }
0x205: {  	[tilespmem:s5], [sflag:$0x2] =	stream.linear.gather [hbm4b:s10+s4], $0x400, $0x38;
	[tilespmem:$0x10700] =	vst v63  }
.Ltmp5:
0x206: {  	_ = 	snop;
	(pc) =	sbr.rel .LBB2_4-.Ltmp5, $4  }
0x207: {  	s10 =	sadd.s32 $0x1E8500, s0;
	s5 =	simm.s32 $0xD100  }
0x208: {  	[tilespmem:s5], [sflag:$0x2] =	stream.linear.gather [hbm4b:s10+s4], $0x400, $0x38;
	[tilespmem:$0x10700] =	vst v63  }
0x209: {  	s0 =	sadd.s32 $0x2DC780, s0;
	s10 =	simm.s32 $0x1500;
	s5 =	simm.s32 $0xF100  }
0x20a: {  	[tilespmem:s5], [sflag:$0x2] =	stream.linear.gather [hbm4b:s0+s4], $0x400, $0x38;
	[tilespmem:$0x10700] =	vst v63  }
.LBB2_6:
0x20b: {  	_ =	sfence.sel $0x180000  }
0x20c: {  	[bflag:$0x0] =	sbarrier.arrive $0xFFFF  }
0x20d: {  	_ =	strace $0x90000047  }
0x20e: {  	s0 =	stileid.u32;
	[bflag:$0x2] =	sbarrier.arrive $0xFFFF  }
0x20f: {  	p0 =	sne.s32 s0, $0x0;
	s0 =	rddreg [dreg:$0x5]  }
0x210: {  	s0 =	sadd.s32 @!p0 $0x100000, s0  }
0x211: {  	[sflag:s0] =	ssyncadd.tile.s32 @!p0 $0x1;
	_ =	shalt  }
.Lfunc_end2:
_tile_overlayer_lowered:
.L_overlay_start_2:
0x212: {  	(tag) =	ssettag $0x2  }
0x213: {  	s0 =	rddreg [dreg:$0x0];
	s2 =	stileid.u32  }
0x214: {  	s1 =	rddreg [dreg:$0x1];
	p0 =	sne.s32 s2, $0x0  }
0x215: {  	s3 =	rddreg [dreg:$0x2];
	[bflag:$0x3] =	sbarrier.arrive $0xFFFF;
	s2 =	simm.s32 @!p0 $0x1C05  }
0x216: {  	[timem:s3], [sflag:s2] =	dma.local @!p0 [hbm:s0], s1  }
0x217: {  	s0 =	simm.s32 @!p0 $0x5  }
0x218: {  	_ =	swait.ge @!p0 [sflag:s0], s1  }
0x219: {  	s1 =	ssub.s32 @!p0 $0x0, s1;
	[sflag:s0] =	ssyncset.done @!p0 $0x0  }
0x21a: {  	[sflag:s0] =	ssyncadd.s32 @!p0 s1  }
0x21b: {  	[bflag:$0x3] =	sbarrier.arrive $0xFFFF  }
0x21c: {  	_ =	shalt  }

</sc_bundles>
